<compile_context>
chip_gen: v7x
topology: tpu7x:2x2x1
jax: 0.10.2.dev20260603
libtpu: 0.0.44.dev20260713+nightly
codegen_flags: <defaults>
</compile_context>

<pallas_src>
import functools

import jax
import jax.numpy as jnp
from jax import lax
from jax.experimental import pallas as pl
from jax.experimental.pallas import tpu as pltpu
from jax.experimental.pallas import tpu_sc as plsc

N = 10000
E = 320000
M = 2048
D = 128
H = 128

NC = 2
NS = 16
NW = NC * NS
EPW = E // NW
K = 80
NCHUNK = EPW // K

_GK1 = 1.5957691216057308
_GK2 = _GK1 * 0.044715


def _src_table_body(x_ref, p8_ref, u8_ref, wl_ref, bl_ref, out_ref):
    out_ref[:, :H] = jnp.dot(p8_ref[...], u8_ref[...],
                             preferred_element_type=jnp.float32)
    out_ref[:, H:] = jnp.dot(x_ref[...], wl_ref[...],
                             preferred_element_type=jnp.float32) + bl_ref[...]


def _dst_table_body(l8_ref, v8_ref, bk_ref, out_ref):
    out_ref[...] = jnp.dot(l8_ref[...], v8_ref[...],
                           preferred_element_type=jnp.float32) + bk_ref[...]


def _edge_body(srct_hbm, dstt_hbm, src_hbm, dst_hbm, out_hbm, cnt_hbm,
               sidx_v, didx_v, gath_v, drow_v, msg_v, ones_v, zbuf_v,
               acc_sh, cnt_sh):
    c = lax.axis_index("c")
    s = lax.axis_index("s")
    wid = s * NC + c

    def zfill(i, carry):
        r = i // (H // 16)
        col = (i % (H // 16)) * 16
        zbuf_v[r, pl.ds(col, 16)] = jnp.zeros((16,), jnp.float32)
        return carry
    lax.fori_loop(0, 16 * (H // 16), zfill, 0)

    def zcopy(r, carry):
        pltpu.sync_copy(zbuf_v, acc_sh.at[pl.ds(s * (M // NS) + r * 16, 16)])
        pltpu.sync_copy(zbuf_v, cnt_sh.at[pl.ds(s * (M // NS) + r * 16, 16)])
        return carry
    lax.fori_loop(0, (M // NS) // 16, zcopy, 0)

    def ofill(i, carry):
        r = i // (H // 16)
        col = (i % (H // 16)) * 16
        ones_v[r, pl.ds(col, 16)] = jnp.ones((16,), jnp.float32)
        return carry
    lax.fori_loop(0, K * (H // 16), ofill, 0)

    plsc.subcore_barrier()

    base_e = wid * EPW

    def chunk(i, carry):
        base = base_e + i * K
        pltpu.sync_copy(src_hbm.at[pl.ds(base, K)], sidx_v)
        pltpu.sync_copy(dst_hbm.at[pl.ds(base, K)], didx_v)
        pltpu.sync_copy(srct_hbm.at[sidx_v], gath_v)
        pltpu.sync_copy(dstt_hbm.at[didx_v], drow_v)

        def edge(e, carry2):
            for j in range(H // 16):
                a = gath_v[e, pl.ds(j * 16, 16)]
                hh = gath_v[e, pl.ds(H + j * 16, 16)]
                b = drow_v[e, pl.ds(j * 16, 16)]
                x0 = a + b
                sq = x0 * x0
                zneg = x0 * (sq * (-_GK2) + (-_GK1))
                den = jnp.exp(zneg) + 1.0
                msg_v[e, pl.ds(j * 16, 16)] = (x0 * hh) / den
            return carry2
        lax.fori_loop(0, K, edge, 0)

        pltpu.sync_copy(msg_v, acc_sh.at[didx_v], add=True)
        pltpu.sync_copy(ones_v, cnt_sh.at[didx_v], add=True)
        return carry
    lax.fori_loop(0, NCHUNK, chunk, 0)

    plsc.subcore_barrier()

    rows = M // NS
    pltpu.sync_copy(acc_sh.at[pl.ds(s * rows, rows)],
                    out_hbm.at[c, pl.ds(s * rows, rows)])
    pltpu.sync_copy(cnt_sh.at[pl.ds(s * rows, rows)],
                    cnt_hbm.at[c, pl.ds(s * rows, rows)])


_edge_kernel = functools.partial(
    pl.kernel,
    out_type=[jax.ShapeDtypeStruct((NC, M, H), jnp.float32),
              jax.ShapeDtypeStruct((NC, M, H), jnp.float32)],
    mesh=plsc.VectorSubcoreMesh(core_axis_name="c", subcore_axis_name="s"),
    scratch_types=[
        pltpu.VMEM((K,), jnp.int32),
        pltpu.VMEM((K,), jnp.int32),
        pltpu.VMEM((K, 2 * H), jnp.float32),
        pltpu.VMEM((K, H), jnp.float32),
        pltpu.VMEM((K, H), jnp.float32),
        pltpu.VMEM((K, H), jnp.float32),
        pltpu.VMEM((16, H), jnp.float32),
        pltpu.VMEM_SHARED((M, H), jnp.float32),
        pltpu.VMEM_SHARED((M, H), jnp.float32),
    ],
)(_edge_body)


def _epilogue_body(acc_ref, cnt_ref, wout_ref, bout_ref, out_ref):
    tot = acc_ref[0] + acc_ref[1]
    cnt = cnt_ref[0, :, 0:1] + cnt_ref[1, :, 0:1]
    pooled = tot / jnp.maximum(cnt, 1.0)
    out_ref[...] = jnp.dot(pooled, wout_ref[...],
                           preferred_element_type=jnp.float32) + bout_ref[...]


@jax.jit
def kernel(x, phys_pos, latent_tokens_pos, edge_index,
           W_lift, b_lift, W_k1, b_k1, W_out, b_out):
    u = W_k1[0:3] + W_k1[6:9]
    v = W_k1[3:6] - W_k1[6:9]
    u8 = jnp.concatenate([u, jnp.zeros((5, H), jnp.float32)], axis=0)
    v8 = jnp.concatenate([v, jnp.zeros((5, H), jnp.float32)], axis=0)
    p8 = jnp.pad(phys_pos, ((0, 0), (0, 5)))
    l8 = jnp.pad(latent_tokens_pos, ((0, 0), (0, 5)))
    src = edge_index[0].astype(jnp.int32)
    dst = edge_index[1].astype(jnp.int32)
    bl = b_lift.reshape(1, H)
    bk = b_k1.reshape(1, H)
    bo = b_out.reshape(1, D)

    rb = 2000
    srct = pl.pallas_call(
        _src_table_body,
        grid=(N // rb,),
        in_specs=[
            pl.BlockSpec((rb, D), lambda i: (i, 0)),
            pl.BlockSpec((rb, 8), lambda i: (i, 0)),
            pl.BlockSpec((8, H), lambda i: (0, 0)),
            pl.BlockSpec((D, H), lambda i: (0, 0)),
            pl.BlockSpec((1, H), lambda i: (0, 0)),
        ],
        out_specs=pl.BlockSpec((rb, 2 * H), lambda i: (i, 0)),
        out_shape=jax.ShapeDtypeStruct((N, 2 * H), jnp.float32),
    )(x, p8, u8, W_lift, bl)

    dstt = pl.pallas_call(
        _dst_table_body,
        out_shape=jax.ShapeDtypeStruct((M, H), jnp.float32),
    )(l8, v8, bk)

    acc, cnt = _edge_kernel(srct, dstt, src, dst)

    out = pl.pallas_call(
        _epilogue_body,
        out_shape=jax.ShapeDtypeStruct((M, D), jnp.float32),
    )(acc, cnt, W_out, bo)
    return out

# --- scband reference (transcript-rebuilt; emitter-appended) ---
"""Pipeline reference for scband-magnoencoder-83897891160641 (READ-ONLY COPY).

The authoritative reference and input builder live on the scoring server;
editing this copy changes nothing except your own understanding.
"""

import jax, jax.numpy as jnp
import numpy as np

N = 10000
E = 320000
M = 2048
D = 128
H = 128
C = 3

def setup_inputs(seed: int = 0):
    key = jax.random.key(seed)
    ks = jax.random.split(key, 12)
    x = jax.random.normal(ks[0], (N, D), dtype=jnp.float32)
    phys_pos = jax.random.uniform(ks[1], (N, C), dtype=jnp.float32)
    latent_tokens_pos = jax.random.uniform(ks[2], (M, C), dtype=jnp.float32)
    src = jax.random.randint(ks[3], (E,), 0, N)
    dst = jax.random.randint(ks[4], (E,), 0, M)
    edge_index = jnp.stack([src, dst], axis=0)
    W_lift = jax.random.normal(ks[5], (D, H), dtype=jnp.float32) * (1.0 / np.sqrt(D))
    b_lift = jnp.zeros((H,), dtype=jnp.float32)
    W_k1 = jax.random.normal(ks[6], (3 * C, H), dtype=jnp.float32) * (1.0 / np.sqrt(3 * C))
    b_k1 = jnp.zeros((H,), dtype=jnp.float32)
    W_out = jax.random.normal(ks[7], (H, D), dtype=jnp.float32) * (1.0 / np.sqrt(H))
    b_out = jnp.zeros((D,), dtype=jnp.float32)
    return {"x": x, "phys_pos": phys_pos, "latent_tokens_pos": latent_tokens_pos, "edge_index": edge_index, "W_lift": W_lift, "b_lift": b_lift, "W_k1": W_k1, "b_k1": b_k1, "W_out": W_out, "b_out": b_out}

def reference(x, phys_pos, latent_tokens_pos, edge_index, W_lift, b_lift, W_k1, b_k1, W_out, b_out):
    # MAGNO encoder: physical -> latent message passing (GNO kernel integral)
    src = edge_index[0]
    dst = edge_index[1]
    # lift physical node features
    h = x @ W_lift + b_lift
    # geometric edge features: src pos, dst (latent) pos, relative offset
    p_src = phys_pos[src]
    p_dst = latent_tokens_pos[dst]
    rel = jnp.concatenate([p_src, p_dst, p_src - p_dst], axis=-1)
    # kernel network conditioned on geometry, modulates gathered messages
    k = jax.nn.gelu(rel @ W_k1 + b_k1)
    msg = k * h[src]
    # mean aggregation onto latent tokens (scatter-add + degree normalize)
    agg = jax.ops.segment_sum(msg, dst, num_segments=M)
    cnt = jax.ops.segment_sum(jnp.ones((E, 1), dtype=jnp.float32), dst, num_segments=M)
    pooled = agg / jnp.maximum(cnt, 1.0)
    out = pooled @ W_out + b_out
    return out

if __name__ == "__main__":
    import jax
    _d = setup_inputs()
    print(jax.jit(kernel)(*tuple(_d.values())))

</pallas_src>

<mosaic_0001>
#map = affine_map<(d0, d1) -> (0, 0)>
#map1 = affine_map<(d0, d1) -> (0)>
#map2 = affine_map<(d0, d1) -> (0, 0, 0)>
module attributes {stable_mosaic.version = 14 : i64} {
  func.func @_edge_body(%arg0: i32, %arg1: i32, %arg2: memref<10000x256xf32, #tpu.memory_space<hbm>>, %arg3: memref<2048x128xf32, #tpu.memory_space<hbm>>, %arg4: memref<320000xi32, #tpu.memory_space<hbm>>, %arg5: memref<320000xi32, #tpu.memory_space<hbm>>, %arg6: memref<2x2048x128xf32, #tpu.memory_space<hbm>>, %arg7: memref<2x2048x128xf32, #tpu.memory_space<hbm>>, %arg8: memref<80xi32, #tpu.memory_space<vmem>>, %arg9: memref<80xi32, #tpu.memory_space<vmem>>, %arg10: memref<80x256xf32, #tpu.memory_space<vmem>>, %arg11: memref<80x128xf32, #tpu.memory_space<vmem>>, %arg12: memref<80x128xf32, #tpu.memory_space<vmem>>, %arg13: memref<80x128xf32, #tpu.memory_space<vmem>>, %arg14: memref<16x128xf32, #tpu.memory_space<vmem>>, %arg15: memref<2048x128xf32, #tpu.memory_space<vmem_shared>>, %arg16: memref<2048x128xf32, #tpu.memory_space<vmem_shared>>) attributes {dimension_semantics = [#tpu.dimension_semantics<core_parallel>, #tpu.dimension_semantics<subcore_parallel>], iteration_bounds = array<i64: 2, 16>, scalar_prefetch = 0 : i64, scratch_operands = 9 : i64, tpu.core_type = #tpu.core_type<sc_vector_subcore>, window_params = [{transform_indices = #map}, {transform_indices = #map}, {transform_indices = #map1}, {transform_indices = #map1}, {transform_indices = #map2}, {transform_indices = #map2}]} {
    %mul3A = arith.constant 2 : i32
    %mul3A_0 = arith.muli %arg1, %mul3A : i32
    %add3A = arith.addi %mul3A_0, %arg0 : i32
    %scan3A = arith.constant 0 : i32
    %scan3A_1 = arith.constant 0 : i32
    %scan3A_2 = arith.constant 128 : i32
    %scan3A_3 = arith.addi %scan3A_1, %scan3A_2 : i32
    %scan3A_4 = arith.constant 1 : i32
    scf.for %scan3A_35 = %scan3A_1 to %scan3A_3 step %scan3A_4  : i32 {
      %jit3A = arith.constant 8 : i32
      %div3A = arith.divsi %scan3A_35, %jit3A : i32
      %sign3A = arith.constant 0 : i32
      %sign3A_36 = arith.cmpi sgt, %scan3A_35, %sign3A : i32
      %sign3A_37 = arith.extui %sign3A_36 : i1 to i32
      %sign3A_38 = arith.constant 0 : i32
      %sign3A_39 = arith.cmpi slt, %scan3A_35, %sign3A_38 : i32
      %sign3A_40 = arith.extui %sign3A_39 : i1 to i32
      %sign3A_41 = arith.subi %sign3A_37, %sign3A_40 : i32
      %sign3A_42 = arith.constant 0 : i32
      %sign3A_43 = arith.cmpi sgt, %jit3A, %sign3A_42 : i32
      %sign3A_44 = arith.extui %sign3A_43 : i1 to i32
      %sign3A_45 = arith.constant 0 : i32
      %sign3A_46 = arith.cmpi slt, %jit3A, %sign3A_45 : i32
      %sign3A_47 = arith.extui %sign3A_46 : i1 to i32
      %sign3A_48 = arith.subi %sign3A_44, %sign3A_47 : i32
      %ne3A = arith.cmpi ne, %sign3A_41, %sign3A_48 : i32
      %rem3A = arith.remsi %scan3A_35, %jit3A : i32
      %ne3A_49 = arith.constant 0 : i32
      %ne3A_50 = arith.cmpi ne, %rem3A, %ne3A_49 : i32
      %and3A = arith.andi %ne3A, %ne3A_50 : i1
      %sub3A = arith.constant 1 : i32
      %sub3A_51 = arith.subi %div3A, %sub3A : i32
      %select_n3A = arith.select %and3A, %sub3A_51, %div3A : i32
      %jit3A_52 = arith.constant 8 : i32
      %eq3A = arith.constant 0 : i32
      %eq3A_53 = arith.cmpi eq, %jit3A_52, %eq3A : i32
      %jit3A_54 = arith.constant 1 : i32
      %select_n3A_55 = arith.select %eq3A_53, %jit3A_54, %jit3A_52 : i32
      %rem3A_56 = arith.remsi %scan3A_35, %select_n3A_55 : i32
      %ne3A_57 = arith.constant 0 : i32
      %ne3A_58 = arith.cmpi ne, %rem3A_56, %ne3A_57 : i32
      %lt3A = arith.constant 0 : i32
      %lt3A_59 = arith.cmpi slt, %rem3A_56, %lt3A : i32
      %lt3A_60 = arith.constant 0 : i32
      %lt3A_61 = arith.cmpi slt, %select_n3A_55, %lt3A_60 : i32
      %ne3A_62 = arith.xori %lt3A_59, %lt3A_61 : i1
      %and3A_63 = arith.andi %ne3A_62, %ne3A_58 : i1
      %add3A_64 = arith.addi %rem3A_56, %select_n3A_55 : i32
      %select_n3A_65 = arith.select %and3A_63, %add3A_64, %rem3A_56 : i32
      %mul3A_66 = arith.constant 16 : i32
      %mul3A_67 = arith.muli %select_n3A_65, %mul3A_66 : i32
      %broadcast_in_dim3A = arith.constant 0.000000e+00 : f32
      %broadcast_in_dim3A_68 = vector.broadcast %broadcast_in_dim3A : f32 to vector<16xf32>
      %swap3A = arith.index_cast %select_n3A : i32 to index
      %swap3A_69 = arith.index_cast %mul3A_67 : i32 to index
      %swap3A_70 = tpu.vector_load %arg14[%swap3A, %swap3A_69] {strides = array<i32>} : memref<16x128xf32, #tpu.memory_space<vmem>>, vector<1x16xf32>,
      %swap3A_71 = vector.shape_cast %swap3A_70 : vector<1x16xf32> to vector<16xf32>
      %swap3A_72 = vector.shape_cast %broadcast_in_dim3A_68 : vector<16xf32> to vector<1x16xf32>
      tpu.vector_store %arg14[%swap3A, %swap3A_69], %swap3A_72 {strides = array<i32>} : memref<16x128xf32, #tpu.memory_space<vmem>>, vector<1x16xf32>,
    }
    %scan3A_5 = arith.constant 128 : i32
    %scan3A_6 = arith.constant 0 : i32
    %scan3A_7 = arith.constant 0 : i32
    %scan3A_8 = arith.constant 8 : i32
    %scan3A_9 = arith.addi %scan3A_7, %scan3A_8 : i32
    %scan3A_10 = arith.constant 1 : i32
    scf.for %scan3A_35 = %scan3A_7 to %scan3A_9 step %scan3A_10  : i32 {
      %mul3A_36 = arith.constant 128 : i32
      %mul3A_37 = arith.muli %arg1, %mul3A_36 : i32
      %mul3A_38 = arith.constant 16 : i32
      %mul3A_39 = arith.muli %scan3A_35, %mul3A_38 : i32
      %add3A_40 = arith.addi %mul3A_37, %mul3A_39 : i32
      "tpu.region"() ({
        %run_scoped3A = tpu.sem_alloc : memref<!tpu.dma_semaphore, #tpu.memory_space<semaphore_mem>>
        %dma_start3A = arith.constant 0 : i32
        %dma_start3A_46 = tpu.memref_slice %arg15[%add3A_40, %dma_start3A] : memref<2048x128xf32, #tpu.memory_space<vmem_shared>> -> memref<16x128xf32, #tpu.memory_space<vmem_shared>>
        %dma_start3A_47 = arith.constant 0 : i32
        %dma_start3A_48 = tpu.memref_slice %arg15[%add3A_40, %dma_start3A_47] : memref<2048x128xf32, #tpu.memory_space<vmem_shared>> -> memref<16x128xf32, #tpu.memory_space<vmem_shared>>
        tpu.enqueue_dma source(%arg14 : memref<16x128xf32, #tpu.memory_space<vmem>>) target(%dma_start3A_48 : memref<16x128xf32, #tpu.memory_space<vmem_shared>>) target_semaphore(%run_scoped3A : memref<!tpu.dma_semaphore, #tpu.memory_space<semaphore_mem>>)
        %dma_wait3A = arith.constant 0 : i32
        %dma_wait3A_49 = tpu.memref_slice %arg15[%add3A_40, %dma_wait3A] : memref<2048x128xf32, #tpu.memory_space<vmem_shared>> -> memref<16x128xf32, #tpu.memory_space<vmem_shared>>
        %dma_wait3A_50 = arith.constant 0 : i32
        %dma_wait3A_51 = tpu.memref_slice %arg15[%add3A_40, %dma_wait3A_50] : memref<2048x128xf32, #tpu.memory_space<vmem_shared>> -> memref<16x128xf32, #tpu.memory_space<vmem_shared>>
        tpu.wait_dma2 semaphore(%run_scoped3A : memref<!tpu.dma_semaphore, #tpu.memory_space<semaphore_mem>>) src(%arg14 : memref<16x128xf32, #tpu.memory_space<vmem>>) dst(%dma_wait3A_51 : memref<16x128xf32, #tpu.memory_space<vmem_shared>>)
        tpu.yield
      }) : () -> ()
      %mul3A_41 = arith.constant 128 : i32
      %mul3A_42 = arith.muli %arg1, %mul3A_41 : i32
      %mul3A_43 = arith.constant 16 : i32
      %mul3A_44 = arith.muli %scan3A_35, %mul3A_43 : i32
      %add3A_45 = arith.addi %mul3A_42, %mul3A_44 : i32
      "tpu.region"() ({
        %run_scoped3A = tpu.sem_alloc : memref<!tpu.dma_semaphore, #tpu.memory_space<semaphore_mem>>
        %dma_start3A = arith.constant 0 : i32
        %dma_start3A_46 = tpu.memref_slice %arg16[%add3A_45, %dma_start3A] : memref<2048x128xf32, #tpu.memory_space<vmem_shared>> -> memref<16x128xf32, #tpu.memory_space<vmem_shared>>
        %dma_start3A_47 = arith.constant 0 : i32
        %dma_start3A_48 = tpu.memref_slice %arg16[%add3A_45, %dma_start3A_47] : memref<2048x128xf32, #tpu.memory_space<vmem_shared>> -> memref<16x128xf32, #tpu.memory_space<vmem_shared>>
        tpu.enqueue_dma source(%arg14 : memref<16x128xf32, #tpu.memory_space<vmem>>) target(%dma_start3A_48 : memref<16x128xf32, #tpu.memory_space<vmem_shared>>) target_semaphore(%run_scoped3A : memref<!tpu.dma_semaphore, #tpu.memory_space<semaphore_mem>>)
        %dma_wait3A = arith.constant 0 : i32
        %dma_wait3A_49 = tpu.memref_slice %arg16[%add3A_45, %dma_wait3A] : memref<2048x128xf32, #tpu.memory_space<vmem_shared>> -> memref<16x128xf32, #tpu.memory_space<vmem_shared>>
        %dma_wait3A_50 = arith.constant 0 : i32
        %dma_wait3A_51 = tpu.memref_slice %arg16[%add3A_45, %dma_wait3A_50] : memref<2048x128xf32, #tpu.memory_space<vmem_shared>> -> memref<16x128xf32, #tpu.memory_space<vmem_shared>>
        tpu.wait_dma2 semaphore(%run_scoped3A : memref<!tpu.dma_semaphore, #tpu.memory_space<semaphore_mem>>) src(%arg14 : memref<16x128xf32, #tpu.memory_space<vmem>>) dst(%dma_wait3A_51 : memref<16x128xf32, #tpu.memory_space<vmem_shared>>)
        tpu.yield
      }) : () -> ()
    }
    %scan3A_11 = arith.constant 8 : i32
    %scan3A_12 = arith.constant 0 : i32
    %scan3A_13 = arith.constant 0 : i32
    %scan3A_14 = arith.constant 640 : i32
    %scan3A_15 = arith.addi %scan3A_13, %scan3A_14 : i32
    %scan3A_16 = arith.constant 1 : i32
    scf.for %scan3A_35 = %scan3A_13 to %scan3A_15 step %scan3A_16  : i32 {
      %jit3A = arith.constant 8 : i32
      %div3A = arith.divsi %scan3A_35, %jit3A : i32
      %sign3A = arith.constant 0 : i32
      %sign3A_36 = arith.cmpi sgt, %scan3A_35, %sign3A : i32
      %sign3A_37 = arith.extui %sign3A_36 : i1 to i32
      %sign3A_38 = arith.constant 0 : i32
      %sign3A_39 = arith.cmpi slt, %scan3A_35, %sign3A_38 : i32
      %sign3A_40 = arith.extui %sign3A_39 : i1 to i32
      %sign3A_41 = arith.subi %sign3A_37, %sign3A_40 : i32
      %sign3A_42 = arith.constant 0 : i32
      %sign3A_43 = arith.cmpi sgt, %jit3A, %sign3A_42 : i32
      %sign3A_44 = arith.extui %sign3A_43 : i1 to i32
      %sign3A_45 = arith.constant 0 : i32
      %sign3A_46 = arith.cmpi slt, %jit3A, %sign3A_45 : i32
      %sign3A_47 = arith.extui %sign3A_46 : i1 to i32
      %sign3A_48 = arith.subi %sign3A_44, %sign3A_47 : i32
      %ne3A = arith.cmpi ne, %sign3A_41, %sign3A_48 : i32
      %rem3A = arith.remsi %scan3A_35, %jit3A : i32
      %ne3A_49 = arith.constant 0 : i32
      %ne3A_50 = arith.cmpi ne, %rem3A, %ne3A_49 : i32
      %and3A = arith.andi %ne3A, %ne3A_50 : i1
      %sub3A = arith.constant 1 : i32
      %sub3A_51 = arith.subi %div3A, %sub3A : i32
      %select_n3A = arith.select %and3A, %sub3A_51, %div3A : i32
      %jit3A_52 = arith.constant 8 : i32
      %eq3A = arith.constant 0 : i32
      %eq3A_53 = arith.cmpi eq, %jit3A_52, %eq3A : i32
      %jit3A_54 = arith.constant 1 : i32
      %select_n3A_55 = arith.select %eq3A_53, %jit3A_54, %jit3A_52 : i32
      %rem3A_56 = arith.remsi %scan3A_35, %select_n3A_55 : i32
      %ne3A_57 = arith.constant 0 : i32
      %ne3A_58 = arith.cmpi ne, %rem3A_56, %ne3A_57 : i32
      %lt3A = arith.constant 0 : i32
      %lt3A_59 = arith.cmpi slt, %rem3A_56, %lt3A : i32
      %lt3A_60 = arith.constant 0 : i32
      %lt3A_61 = arith.cmpi slt, %select_n3A_55, %lt3A_60 : i32
      %ne3A_62 = arith.xori %lt3A_59, %lt3A_61 : i1
      %and3A_63 = arith.andi %ne3A_62, %ne3A_58 : i1
      %add3A_64 = arith.addi %rem3A_56, %select_n3A_55 : i32
      %select_n3A_65 = arith.select %and3A_63, %add3A_64, %rem3A_56 : i32
      %mul3A_66 = arith.constant 16 : i32
      %mul3A_67 = arith.muli %select_n3A_65, %mul3A_66 : i32
      %broadcast_in_dim3A = arith.constant 1.000000e+00 : f32
      %broadcast_in_dim3A_68 = vector.broadcast %broadcast_in_dim3A : f32 to vector<16xf32>
      %swap3A = arith.index_cast %select_n3A : i32 to index
      %swap3A_69 = arith.index_cast %mul3A_67 : i32 to index
      %swap3A_70 = tpu.vector_load %arg13[%swap3A, %swap3A_69] {strides = array<i32>} : memref<80x128xf32, #tpu.memory_space<vmem>>, vector<1x16xf32>,
      %swap3A_71 = vector.shape_cast %swap3A_70 : vector<1x16xf32> to vector<16xf32>
      %swap3A_72 = vector.shape_cast %broadcast_in_dim3A_68 : vector<16xf32> to vector<1x16xf32>
      tpu.vector_store %arg13[%swap3A, %swap3A_69], %swap3A_72 {strides = array<i32>} : memref<80x128xf32, #tpu.memory_space<vmem>>, vector<1x16xf32>,
    }
    %scan3A_17 = arith.constant 640 : i32
    %barrier3A = arith.constant 0 : index
    tpu.barrier barrier_id(%barrier3A)
    %mul3A_18 = arith.constant 10000 : i32
    %mul3A_19 = arith.muli %add3A, %mul3A_18 : i32
    %scan3A_20 = arith.constant 0 : i32
    %scan3A_21 = arith.constant 0 : i32
    %scan3A_22 = arith.constant 125 : i32
    %scan3A_23 = arith.addi %scan3A_21, %scan3A_22 : i32
    %scan3A_24 = arith.constant 1 : i32
    scf.for %scan3A_35 = %scan3A_21 to %scan3A_23 step %scan3A_24  : i32 {
      %mul3A_36 = arith.constant 80 : i32
      %mul3A_37 = arith.muli %scan3A_35, %mul3A_36 : i32
      %add3A_38 = arith.addi %mul3A_19, %mul3A_37 : i32
      "tpu.region"() ({
        %run_scoped3A = tpu.sem_alloc : memref<!tpu.dma_semaphore, #tpu.memory_space<semaphore_mem>>
        %dma_start3A = tpu.memref_slice %arg4[%add3A_38] : memref<320000xi32, #tpu.memory_space<hbm>> -> memref<80xi32, #tpu.memory_space<hbm>>
        %dma_start3A_45 = tpu.memref_slice %arg4[%add3A_38] : memref<320000xi32, #tpu.memory_space<hbm>> -> memref<80xi32, #tpu.memory_space<hbm>>
        tpu.enqueue_dma source(%dma_start3A_45 : memref<80xi32, #tpu.memory_space<hbm>>) target(%arg8 : memref<80xi32, #tpu.memory_space<vmem>>) target_semaphore(%run_scoped3A : memref<!tpu.dma_semaphore, #tpu.memory_space<semaphore_mem>>)
        %dma_wait3A = tpu.memref_slice %arg4[%add3A_38] : memref<320000xi32, #tpu.memory_space<hbm>> -> memref<80xi32, #tpu.memory_space<hbm>>
        %dma_wait3A_46 = tpu.memref_slice %arg4[%add3A_38] : memref<320000xi32, #tpu.memory_space<hbm>> -> memref<80xi32, #tpu.memory_space<hbm>>
        tpu.wait_dma2 semaphore(%run_scoped3A : memref<!tpu.dma_semaphore, #tpu.memory_space<semaphore_mem>>) src(%dma_wait3A_46 : memref<80xi32, #tpu.memory_space<hbm>>) dst(%arg8 : memref<80xi32, #tpu.memory_space<vmem>>)
        tpu.yield
      }) : () -> ()
      "tpu.region"() ({
        %run_scoped3A = tpu.sem_alloc : memref<!tpu.dma_semaphore, #tpu.memory_space<semaphore_mem>>
        %dma_start3A = tpu.memref_slice %arg5[%add3A_38] : memref<320000xi32, #tpu.memory_space<hbm>> -> memref<80xi32, #tpu.memory_space<hbm>>
        %dma_start3A_45 = tpu.memref_slice %arg5[%add3A_38] : memref<320000xi32, #tpu.memory_space<hbm>> -> memref<80xi32, #tpu.memory_space<hbm>>
        tpu.enqueue_dma source(%dma_start3A_45 : memref<80xi32, #tpu.memory_space<hbm>>) target(%arg9 : memref<80xi32, #tpu.memory_space<vmem>>) target_semaphore(%run_scoped3A : memref<!tpu.dma_semaphore, #tpu.memory_space<semaphore_mem>>)
        %dma_wait3A = tpu.memref_slice %arg5[%add3A_38] : memref<320000xi32, #tpu.memory_space<hbm>> -> memref<80xi32, #tpu.memory_space<hbm>>
        %dma_wait3A_46 = tpu.memref_slice %arg5[%add3A_38] : memref<320000xi32, #tpu.memory_space<hbm>> -> memref<80xi32, #tpu.memory_space<hbm>>
        tpu.wait_dma2 semaphore(%run_scoped3A : memref<!tpu.dma_semaphore, #tpu.memory_space<semaphore_mem>>) src(%dma_wait3A_46 : memref<80xi32, #tpu.memory_space<hbm>>) dst(%arg9 : memref<80xi32, #tpu.memory_space<vmem>>)
        tpu.yield
      }) : () -> ()
      "tpu.region"() ({
        %run_scoped3A = tpu.sem_alloc : memref<!tpu.dma_semaphore, #tpu.memory_space<semaphore_mem>>
        %dma_start3A = arith.constant 0 : i32
        %dma_start3A_45 = arith.constant 0 : i32
        %dma_start3A_46 = tpu.memref_slice %arg2[%dma_start3A, %dma_start3A_45] : memref<10000x256xf32, #tpu.memory_space<hbm>> -> memref<10000x256xf32, #tpu.memory_space<hbm>>
        tpu.enqueue_indirect_dma source(%dma_start3A_46 : memref<10000x256xf32, #tpu.memory_space<hbm>>) target(%arg10 : memref<80x256xf32, #tpu.memory_space<vmem>>) offsets(%arg8 : memref<80xi32, #tpu.memory_space<vmem>>) semaphore(%run_scoped3A : memref<!tpu.dma_semaphore, #tpu.memory_space<semaphore_mem>>)
        %dma_wait3A = arith.constant 0 : i32
        %dma_wait3A_47 = arith.constant 0 : i32
        %dma_wait3A_48 = tpu.memref_slice %arg2[%dma_wait3A, %dma_wait3A_47] : memref<10000x256xf32, #tpu.memory_space<hbm>> -> memref<10000x256xf32, #tpu.memory_space<hbm>>
        tpu.wait_indirect_dma semaphore(%run_scoped3A : memref<!tpu.dma_semaphore, #tpu.memory_space<semaphore_mem>>) src(%dma_wait3A_48 : memref<10000x256xf32, #tpu.memory_space<hbm>>) dst(%arg10 : memref<80x256xf32, #tpu.memory_space<vmem>>)
        tpu.yield
      }) : () -> ()
      "tpu.region"() ({
        %run_scoped3A = tpu.sem_alloc : memref<!tpu.dma_semaphore, #tpu.memory_space<semaphore_mem>>
        %dma_start3A = arith.constant 0 : i32
        %dma_start3A_45 = arith.constant 0 : i32
        %dma_start3A_46 = tpu.memref_slice %arg3[%dma_start3A, %dma_start3A_45] : memref<2048x128xf32, #tpu.memory_space<hbm>> -> memref<2048x128xf32, #tpu.memory_space<hbm>>
        tpu.enqueue_indirect_dma source(%dma_start3A_46 : memref<2048x128xf32, #tpu.memory_space<hbm>>) target(%arg11 : memref<80x128xf32, #tpu.memory_space<vmem>>) offsets(%arg9 : memref<80xi32, #tpu.memory_space<vmem>>) semaphore(%run_scoped3A : memref<!tpu.dma_semaphore, #tpu.memory_space<semaphore_mem>>)
        %dma_wait3A = arith.constant 0 : i32
        %dma_wait3A_47 = arith.constant 0 : i32
        %dma_wait3A_48 = tpu.memref_slice %arg3[%dma_wait3A, %dma_wait3A_47] : memref<2048x128xf32, #tpu.memory_space<hbm>> -> memref<2048x128xf32, #tpu.memory_space<hbm>>
        tpu.wait_indirect_dma semaphore(%run_scoped3A : memref<!tpu.dma_semaphore, #tpu.memory_space<semaphore_mem>>) src(%dma_wait3A_48 : memref<2048x128xf32, #tpu.memory_space<hbm>>) dst(%arg11 : memref<80x128xf32, #tpu.memory_space<vmem>>)
        tpu.yield
      }) : () -> ()
      %scan3A_39 = arith.constant 0 : i32
      %scan3A_40 = arith.constant 0 : i32
      %scan3A_41 = arith.constant 80 : i32
      %scan3A_42 = arith.addi %scan3A_40, %scan3A_41 : i32
      %scan3A_43 = arith.constant 1 : i32
      scf.for %scan3A_45 = %scan3A_40 to %scan3A_42 step %scan3A_43  : i32 {
        %get3A = arith.index_cast %scan3A_45 : i32 to index
        %get3A_46 = arith.constant 0 : index
        %get3A_47 = tpu.vector_load %arg10[%get3A, %get3A_46] {strides = array<i32>} : memref<80x256xf32, #tpu.memory_space<vmem>>, vector<1x16xf32>,
        %get3A_48 = vector.shape_cast %get3A_47 : vector<1x16xf32> to vector<16xf32>
        %get3A_49 = arith.index_cast %scan3A_45 : i32 to index
        %get3A_50 = arith.constant 128 : index
        %get3A_51 = tpu.vector_load %arg10[%get3A_49, %get3A_50] {strides = array<i32>} : memref<80x256xf32, #tpu.memory_space<vmem>>, vector<1x16xf32>,
        %get3A_52 = vector.shape_cast %get3A_51 : vector<1x16xf32> to vector<16xf32>
        %get3A_53 = arith.index_cast %scan3A_45 : i32 to index
        %get3A_54 = arith.constant 0 : index
        %get3A_55 = tpu.vector_load %arg11[%get3A_53, %get3A_54] {strides = array<i32>} : memref<80x128xf32, #tpu.memory_space<vmem>>, vector<1x16xf32>,
        %get3A_56 = vector.shape_cast %get3A_55 : vector<1x16xf32> to vector<16xf32>
        %add3A_57 = arith.addf %get3A_48, %get3A_56 : vector<16xf32>
        %mul3A_58 = arith.mulf %add3A_57, %add3A_57 : vector<16xf32>
        %mul3A_59 = arith.constant -0.0713548139 : f32
        %mul3A_60 = vector.broadcast %mul3A_59 : f32 to vector<16xf32>
        %mul3A_61 = arith.mulf %mul3A_58, %mul3A_60 : vector<16xf32>
        %add3A_62 = arith.constant -1.59576917 : f32
        %add3A_63 = vector.broadcast %add3A_62 : f32 to vector<16xf32>
        %add3A_64 = arith.addf %mul3A_61, %add3A_63 : vector<16xf32>
        %mul3A_65 = arith.mulf %add3A_57, %add3A_64 : vector<16xf32>
        %exp3A = math.exp %mul3A_65 : vector<16xf32>
        %add3A_66 = arith.constant 1.000000e+00 : f32
        %add3A_67 = vector.broadcast %add3A_66 : f32 to vector<16xf32>
        %add3A_68 = arith.addf %exp3A, %add3A_67 : vector<16xf32>
        %mul3A_69 = arith.mulf %add3A_57, %get3A_52 : vector<16xf32>
        %div3A = arith.divf %mul3A_69, %add3A_68 : vector<16xf32>
        %swap3A = arith.index_cast %scan3A_45 : i32 to index
        %swap3A_70 = arith.constant 0 : index
        %swap3A_71 = tpu.vector_load %arg12[%swap3A, %swap3A_70] {strides = array<i32>} : memref<80x128xf32, #tpu.memory_space<vmem>>, vector<1x16xf32>,
        %swap3A_72 = vector.shape_cast %swap3A_71 : vector<1x16xf32> to vector<16xf32>
        %swap3A_73 = vector.shape_cast %div3A : vector<16xf32> to vector<1x16xf32>
        tpu.vector_store %arg12[%swap3A, %swap3A_70], %swap3A_73 {strides = array<i32>} : memref<80x128xf32, #tpu.memory_space<vmem>>, vector<1x16xf32>,
        %get3A_74 = arith.index_cast %scan3A_45 : i32 to index
        %get3A_75 = arith.constant 16 : index
        %get3A_76 = tpu.vector_load %arg10[%get3A_74, %get3A_75] {strides = array<i32>} : memref<80x256xf32, #tpu.memory_space<vmem>>, vector<1x16xf32>,
        %get3A_77 = vector.shape_cast %get3A_76 : vector<1x16xf32> to vector<16xf32>
        %get3A_78 = arith.index_cast %scan3A_45 : i32 to index
        %get3A_79 = arith.constant 144 : index
        %get3A_80 = tpu.vector_load %arg10[%get3A_78, %get3A_79] {strides = array<i32>} : memref<80x256xf32, #tpu.memory_space<vmem>>, vector<1x16xf32>,
        %get3A_81 = vector.shape_cast %get3A_80 : vector<1x16xf32> to vector<16xf32>
        %get3A_82 = arith.index_cast %scan3A_45 : i32 to index
        %get3A_83 = arith.constant 16 : index
        %get3A_84 = tpu.vector_load %arg11[%get3A_82, %get3A_83] {strides = array<i32>} : memref<80x128xf32, #tpu.memory_space<vmem>>, vector<1x16xf32>,
        %get3A_85 = vector.shape_cast %get3A_84 : vector<1x16xf32> to vector<16xf32>
        %add3A_86 = arith.addf %get3A_77, %get3A_85 : vector<16xf32>
        %mul3A_87 = arith.mulf %add3A_86, %add3A_86 : vector<16xf32>
        %mul3A_88 = arith.constant -0.0713548139 : f32
        %mul3A_89 = vector.broadcast %mul3A_88 : f32 to vector<16xf32>
        %mul3A_90 = arith.mulf %mul3A_87, %mul3A_89 : vector<16xf32>
        %add3A_91 = arith.constant -1.59576917 : f32
        %add3A_92 = vector.broadcast %add3A_91 : f32 to vector<16xf32>
        %add3A_93 = arith.addf %mul3A_90, %add3A_92 : vector<16xf32>
        %mul3A_94 = arith.mulf %add3A_86, %add3A_93 : vector<16xf32>
        %exp3A_95 = math.exp %mul3A_94 : vector<16xf32>
        %add3A_96 = arith.constant 1.000000e+00 : f32
        %add3A_97 = vector.broadcast %add3A_96 : f32 to vector<16xf32>
        %add3A_98 = arith.addf %exp3A_95, %add3A_97 : vector<16xf32>
        %mul3A_99 = arith.mulf %add3A_86, %get3A_81 : vector<16xf32>
        %div3A_100 = arith.divf %mul3A_99, %add3A_98 : vector<16xf32>
        %swap3A_101 = arith.index_cast %scan3A_45 : i32 to index
        %swap3A_102 = arith.constant 16 : index
        %swap3A_103 = tpu.vector_load %arg12[%swap3A_101, %swap3A_102] {strides = array<i32>} : memref<80x128xf32, #tpu.memory_space<vmem>>, vector<1x16xf32>,
        %swap3A_104 = vector.shape_cast %swap3A_103 : vector<1x16xf32> to vector<16xf32>
        %swap3A_105 = vector.shape_cast %div3A_100 : vector<16xf32> to vector<1x16xf32>
        tpu.vector_store %arg12[%swap3A_101, %swap3A_102], %swap3A_105 {strides = array<i32>} : memref<80x128xf32, #tpu.memory_space<vmem>>, vector<1x16xf32>,
        %get3A_106 = arith.index_cast %scan3A_45 : i32 to index
        %get3A_107 = arith.constant 32 : index
        %get3A_108 = tpu.vector_load %arg10[%get3A_106, %get3A_107] {strides = array<i32>} : memref<80x256xf32, #tpu.memory_space<vmem>>, vector<1x16xf32>,
        %get3A_109 = vector.shape_cast %get3A_108 : vector<1x16xf32> to vector<16xf32>
        %get3A_110 = arith.index_cast %scan3A_45 : i32 to index
        %get3A_111 = arith.constant 160 : index
        %get3A_112 = tpu.vector_load %arg10[%get3A_110, %get3A_111] {strides = array<i32>} : memref<80x256xf32, #tpu.memory_space<vmem>>, vector<1x16xf32>,
        %get3A_113 = vector.shape_cast %get3A_112 : vector<1x16xf32> to vector<16xf32>
        %get3A_114 = arith.index_cast %scan3A_45 : i32 to index
        %get3A_115 = arith.constant 32 : index
        %get3A_116 = tpu.vector_load %arg11[%get3A_114, %get3A_115] {strides = array<i32>} : memref<80x128xf32, #tpu.memory_space<vmem>>, vector<1x16xf32>,
        %get3A_117 = vector.shape_cast %get3A_116 : vector<1x16xf32> to vector<16xf32>
        %add3A_118 = arith.addf %get3A_109, %get3A_117 : vector<16xf32>
        %mul3A_119 = arith.mulf %add3A_118, %add3A_118 : vector<16xf32>
        %mul3A_120 = arith.constant -0.0713548139 : f32
        %mul3A_121 = vector.broadcast %mul3A_120 : f32 to vector<16xf32>
        %mul3A_122 = arith.mulf %mul3A_119, %mul3A_121 : vector<16xf32>
        %add3A_123 = arith.constant -1.59576917 : f32
        %add3A_124 = vector.broadcast %add3A_123 : f32 to vector<16xf32>
        %add3A_125 = arith.addf %mul3A_122, %add3A_124 : vector<16xf32>
        %mul3A_126 = arith.mulf %add3A_118, %add3A_125 : vector<16xf32>
        %exp3A_127 = math.exp %mul3A_126 : vector<16xf32>
        %add3A_128 = arith.constant 1.000000e+00 : f32
        %add3A_129 = vector.broadcast %add3A_128 : f32 to vector<16xf32>
        %add3A_130 = arith.addf %exp3A_127, %add3A_129 : vector<16xf32>
        %mul3A_131 = arith.mulf %add3A_118, %get3A_113 : vector<16xf32>
        %div3A_132 = arith.divf %mul3A_131, %add3A_130 : vector<16xf32>
        %swap3A_133 = arith.index_cast %scan3A_45 : i32 to index
        %swap3A_134 = arith.constant 32 : index
        %swap3A_135 = tpu.vector_load %arg12[%swap3A_133, %swap3A_134] {strides = array<i32>} : memref<80x128xf32, #tpu.memory_space<vmem>>, vector<1x16xf32>,
        %swap3A_136 = vector.shape_cast %swap3A_135 : vector<1x16xf32> to vector<16xf32>
        %swap3A_137 = vector.shape_cast %div3A_132 : vector<16xf32> to vector<1x16xf32>
        tpu.vector_store %arg12[%swap3A_133, %swap3A_134], %swap3A_137 {strides = array<i32>} : memref<80x128xf32, #tpu.memory_space<vmem>>, vector<1x16xf32>,
        %get3A_138 = arith.index_cast %scan3A_45 : i32 to index
        %get3A_139 = arith.constant 48 : index
        %get3A_140 = tpu.vector_load %arg10[%get3A_138, %get3A_139] {strides = array<i32>} : memref<80x256xf32, #tpu.memory_space<vmem>>, vector<1x16xf32>,
        %get3A_141 = vector.shape_cast %get3A_140 : vector<1x16xf32> to vector<16xf32>
        %get3A_142 = arith.index_cast %scan3A_45 : i32 to index
        %get3A_143 = arith.constant 176 : index
        %get3A_144 = tpu.vector_load %arg10[%get3A_142, %get3A_143] {strides = array<i32>} : memref<80x256xf32, #tpu.memory_space<vmem>>, vector<1x16xf32>,
        %get3A_145 = vector.shape_cast %get3A_144 : vector<1x16xf32> to vector<16xf32>
        %get3A_146 = arith.index_cast %scan3A_45 : i32 to index
        %get3A_147 = arith.constant 48 : index
        %get3A_148 = tpu.vector_load %arg11[%get3A_146, %get3A_147] {strides = array<i32>} : memref<80x128xf32, #tpu.memory_space<vmem>>, vector<1x16xf32>,
        %get3A_149 = vector.shape_cast %get3A_148 : vector<1x16xf32> to vector<16xf32>
        %add3A_150 = arith.addf %get3A_141, %get3A_149 : vector<16xf32>
        %mul3A_151 = arith.mulf %add3A_150, %add3A_150 : vector<16xf32>
        %mul3A_152 = arith.constant -0.0713548139 : f32
        %mul3A_153 = vector.broadcast %mul3A_152 : f32 to vector<16xf32>
        %mul3A_154 = arith.mulf %mul3A_151, %mul3A_153 : vector<16xf32>
        %add3A_155 = arith.constant -1.59576917 : f32
        %add3A_156 = vector.broadcast %add3A_155 : f32 to vector<16xf32>
        %add3A_157 = arith.addf %mul3A_154, %add3A_156 : vector<16xf32>
        %mul3A_158 = arith.mulf %add3A_150, %add3A_157 : vector<16xf32>
        %exp3A_159 = math.exp %mul3A_158 : vector<16xf32>
        %add3A_160 = arith.constant 1.000000e+00 : f32
        %add3A_161 = vector.broadcast %add3A_160 : f32 to vector<16xf32>
        %add3A_162 = arith.addf %exp3A_159, %add3A_161 : vector<16xf32>
        %mul3A_163 = arith.mulf %add3A_150, %get3A_145 : vector<16xf32>
        %div3A_164 = arith.divf %mul3A_163, %add3A_162 : vector<16xf32>
        %swap3A_165 = arith.index_cast %scan3A_45 : i32 to index
        %swap3A_166 = arith.constant 48 : index
        %swap3A_167 = tpu.vector_load %arg12[%swap3A_165, %swap3A_166] {strides = array<i32>} : memref<80x128xf32, #tpu.memory_space<vmem>>, vector<1x16xf32>,
        %swap3A_168 = vector.shape_cast %swap3A_167 : vector<1x16xf32> to vector<16xf32>
        %swap3A_169 = vector.shape_cast %div3A_164 : vector<16xf32> to vector<1x16xf32>
        tpu.vector_store %arg12[%swap3A_165, %swap3A_166], %swap3A_169 {strides = array<i32>} : memref<80x128xf32, #tpu.memory_space<vmem>>, vector<1x16xf32>,
        %get3A_170 = arith.index_cast %scan3A_45 : i32 to index
        %get3A_171 = arith.constant 64 : index
        %get3A_172 = tpu.vector_load %arg10[%get3A_170, %get3A_171] {strides = array<i32>} : memref<80x256xf32, #tpu.memory_space<vmem>>, vector<1x16xf32>,
        %get3A_173 = vector.shape_cast %get3A_172 : vector<1x16xf32> to vector<16xf32>
        %get3A_174 = arith.index_cast %scan3A_45 : i32 to index
        %get3A_175 = arith.constant 192 : index
        %get3A_176 = tpu.vector_load %arg10[%get3A_174, %get3A_175] {strides = array<i32>} : memref<80x256xf32, #tpu.memory_space<vmem>>, vector<1x16xf32>,
        %get3A_177 = vector.shape_cast %get3A_176 : vector<1x16xf32> to vector<16xf32>
        %get3A_178 = arith.index_cast %scan3A_45 : i32 to index
        %get3A_179 = arith.constant 64 : index
        %get3A_180 = tpu.vector_load %arg11[%get3A_178, %get3A_179] {strides = array<i32>} : memref<80x128xf32, #tpu.memory_space<vmem>>, vector<1x16xf32>,
        %get3A_181 = vector.shape_cast %get3A_180 : vector<1x16xf32> to vector<16xf32>
        %add3A_182 = arith.addf %get3A_173, %get3A_181 : vector<16xf32>
        %mul3A_183 = arith.mulf %add3A_182, %add3A_182 : vector<16xf32>
        %mul3A_184 = arith.constant -0.0713548139 : f32
        %mul3A_185 = vector.broadcast %mul3A_184 : f32 to vector<16xf32>
        %mul3A_186 = arith.mulf %mul3A_183, %mul3A_185 : vector<16xf32>
        %add3A_187 = arith.constant -1.59576917 : f32
        %add3A_188 = vector.broadcast %add3A_187 : f32 to vector<16xf32>
        %add3A_189 = arith.addf %mul3A_186, %add3A_188 : vector<16xf32>
        %mul3A_190 = arith.mulf %add3A_182, %add3A_189 : vector<16xf32>
        %exp3A_191 = math.exp %mul3A_190 : vector<16xf32>
        %add3A_192 = arith.constant 1.000000e+00 : f32
        %add3A_193 = vector.broadcast %add3A_192 : f32 to vector<16xf32>
        %add3A_194 = arith.addf %exp3A_191, %add3A_193 : vector<16xf32>
        %mul3A_195 = arith.mulf %add3A_182, %get3A_177 : vector<16xf32>
        %div3A_196 = arith.divf %mul3A_195, %add3A_194 : vector<16xf32>
        %swap3A_197 = arith.index_cast %scan3A_45 : i32 to index
        %swap3A_198 = arith.constant 64 : index
        %swap3A_199 = tpu.vector_load %arg12[%swap3A_197, %swap3A_198] {strides = array<i32>} : memref<80x128xf32, #tpu.memory_space<vmem>>, vector<1x16xf32>,
        %swap3A_200 = vector.shape_cast %swap3A_199 : vector<1x16xf32> to vector<16xf32>
        %swap3A_201 = vector.shape_cast %div3A_196 : vector<16xf32> to vector<1x16xf32>
        tpu.vector_store %arg12[%swap3A_197, %swap3A_198], %swap3A_201 {strides = array<i32>} : memref<80x128xf32, #tpu.memory_space<vmem>>, vector<1x16xf32>,
        %get3A_202 = arith.index_cast %scan3A_45 : i32 to index
        %get3A_203 = arith.constant 80 : index
        %get3A_204 = tpu.vector_load %arg10[%get3A_202, %get3A_203] {strides = array<i32>} : memref<80x256xf32, #tpu.memory_space<vmem>>, vector<1x16xf32>,
        %get3A_205 = vector.shape_cast %get3A_204 : vector<1x16xf32> to vector<16xf32>
        %get3A_206 = arith.index_cast %scan3A_45 : i32 to index
        %get3A_207 = arith.constant 208 : index
        %get3A_208 = tpu.vector_load %arg10[%get3A_206, %get3A_207] {strides = array<i32>} : memref<80x256xf32, #tpu.memory_space<vmem>>, vector<1x16xf32>,
        %get3A_209 = vector.shape_cast %get3A_208 : vector<1x16xf32> to vector<16xf32>
        %get3A_210 = arith.index_cast %scan3A_45 : i32 to index
        %get3A_211 = arith.constant 80 : index
        %get3A_212 = tpu.vector_load %arg11[%get3A_210, %get3A_211] {strides = array<i32>} : memref<80x128xf32, #tpu.memory_space<vmem>>, vector<1x16xf32>,
        %get3A_213 = vector.shape_cast %get3A_212 : vector<1x16xf32> to vector<16xf32>
        %add3A_214 = arith.addf %get3A_205, %get3A_213 : vector<16xf32>
        %mul3A_215 = arith.mulf %add3A_214, %add3A_214 : vector<16xf32>
        %mul3A_216 = arith.constant -0.0713548139 : f32
        %mul3A_217 = vector.broadcast %mul3A_216 : f32 to vector<16xf32>
        %mul3A_218 = arith.mulf %mul3A_215, %mul3A_217 : vector<16xf32>
        %add3A_219 = arith.constant -1.59576917 : f32
        %add3A_220 = vector.broadcast %add3A_219 : f32 to vector<16xf32>
        %add3A_221 = arith.addf %mul3A_218, %add3A_220 : vector<16xf32>
        %mul3A_222 = arith.mulf %add3A_214, %add3A_221 : vector<16xf32>
        %exp3A_223 = math.exp %mul3A_222 : vector<16xf32>
        %add3A_224 = arith.constant 1.000000e+00 : f32
        %add3A_225 = vector.broadcast %add3A_224 : f32 to vector<16xf32>
        %add3A_226 = arith.addf %exp3A_223, %add3A_225 : vector<16xf32>
        %mul3A_227 = arith.mulf %add3A_214, %get3A_209 : vector<16xf32>
        %div3A_228 = arith.divf %mul3A_227, %add3A_226 : vector<16xf32>
        %swap3A_229 = arith.index_cast %scan3A_45 : i32 to index
        %swap3A_230 = arith.constant 80 : index
        %swap3A_231 = tpu.vector_load %arg12[%swap3A_229, %swap3A_230] {strides = array<i32>} : memref<80x128xf32, #tpu.memory_space<vmem>>, vector<1x16xf32>,
        %swap3A_232 = vector.shape_cast %swap3A_231 : vector<1x16xf32> to vector<16xf32>
        %swap3A_233 = vector.shape_cast %div3A_228 : vector<16xf32> to vector<1x16xf32>
        tpu.vector_store %arg12[%swap3A_229, %swap3A_230], %swap3A_233 {strides = array<i32>} : memref<80x128xf32, #tpu.memory_space<vmem>>, vector<1x16xf32>,
        %get3A_234 = arith.index_cast %scan3A_45 : i32 to index
        %get3A_235 = arith.constant 96 : index
        %get3A_236 = tpu.vector_load %arg10[%get3A_234, %get3A_235] {strides = array<i32>} : memref<80x256xf32, #tpu.memory_space<vmem>>, vector<1x16xf32>,
        %get3A_237 = vector.shape_cast %get3A_236 : vector<1x16xf32> to vector<16xf32>
        %get3A_238 = arith.index_cast %scan3A_45 : i32 to index
        %get3A_239 = arith.constant 224 : index
        %get3A_240 = tpu.vector_load %arg10[%get3A_238, %get3A_239] {strides = array<i32>} : memref<80x256xf32, #tpu.memory_space<vmem>>, vector<1x16xf32>,
        %get3A_241 = vector.shape_cast %get3A_240 : vector<1x16xf32> to vector<16xf32>
        %get3A_242 = arith.index_cast %scan3A_45 : i32 to index
        %get3A_243 = arith.constant 96 : index
        %get3A_244 = tpu.vector_load %arg11[%get3A_242, %get3A_243] {strides = array<i32>} : memref<80x128xf32, #tpu.memory_space<vmem>>, vector<1x16xf32>,
        %get3A_245 = vector.shape_cast %get3A_244 : vector<1x16xf32> to vector<16xf32>
        %add3A_246 = arith.addf %get3A_237, %get3A_245 : vector<16xf32>
        %mul3A_247 = arith.mulf %add3A_246, %add3A_246 : vector<16xf32>
        %mul3A_248 = arith.constant -0.0713548139 : f32
        %mul3A_249 = vector.broadcast %mul3A_248 : f32 to vector<16xf32>
        %mul3A_250 = arith.mulf %mul3A_247, %mul3A_249 : vector<16xf32>
        %add3A_251 = arith.constant -1.59576917 : f32
        %add3A_252 = vector.broadcast %add3A_251 : f32 to vector<16xf32>
        %add3A_253 = arith.addf %mul3A_250, %add3A_252 : vector<16xf32>
        %mul3A_254 = arith.mulf %add3A_246, %add3A_253 : vector<16xf32>
        %exp3A_255 = math.exp %mul3A_254 : vector<16xf32>
        %add3A_256 = arith.constant 1.000000e+00 : f32
        %add3A_257 = vector.broadcast %add3A_256 : f32 to vector<16xf32>
        %add3A_258 = arith.addf %exp3A_255, %add3A_257 : vector<16xf32>
        %mul3A_259 = arith.mulf %add3A_246, %get3A_241 : vector<16xf32>
        %div3A_260 = arith.divf %mul3A_259, %add3A_258 : vector<16xf32>
        %swap3A_261 = arith.index_cast %scan3A_45 : i32 to index
        %swap3A_262 = arith.constant 96 : index
        %swap3A_263 = tpu.vector_load %arg12[%swap3A_261, %swap3A_262] {strides = array<i32>} : memref<80x128xf32, #tpu.memory_space<vmem>>, vector<1x16xf32>,
        %swap3A_264 = vector.shape_cast %swap3A_263 : vector<1x16xf32> to vector<16xf32>
        %swap3A_265 = vector.shape_cast %div3A_260 : vector<16xf32> to vector<1x16xf32>
        tpu.vector_store %arg12[%swap3A_261, %swap3A_262], %swap3A_265 {strides = array<i32>} : memref<80x128xf32, #tpu.memory_space<vmem>>, vector<1x16xf32>,
        %get3A_266 = arith.index_cast %scan3A_45 : i32 to index
        %get3A_267 = arith.constant 112 : index
        %get3A_268 = tpu.vector_load %arg10[%get3A_266, %get3A_267] {strides = array<i32>} : memref<80x256xf32, #tpu.memory_space<vmem>>, vector<1x16xf32>,
        %get3A_269 = vector.shape_cast %get3A_268 : vector<1x16xf32> to vector<16xf32>
        %get3A_270 = arith.index_cast %scan3A_45 : i32 to index
        %get3A_271 = arith.constant 240 : index
        %get3A_272 = tpu.vector_load %arg10[%get3A_270, %get3A_271] {strides = array<i32>} : memref<80x256xf32, #tpu.memory_space<vmem>>, vector<1x16xf32>,
        %get3A_273 = vector.shape_cast %get3A_272 : vector<1x16xf32> to vector<16xf32>
        %get3A_274 = arith.index_cast %scan3A_45 : i32 to index
        %get3A_275 = arith.constant 112 : index
        %get3A_276 = tpu.vector_load %arg11[%get3A_274, %get3A_275] {strides = array<i32>} : memref<80x128xf32, #tpu.memory_space<vmem>>, vector<1x16xf32>,
        %get3A_277 = vector.shape_cast %get3A_276 : vector<1x16xf32> to vector<16xf32>
        %add3A_278 = arith.addf %get3A_269, %get3A_277 : vector<16xf32>
        %mul3A_279 = arith.mulf %add3A_278, %add3A_278 : vector<16xf32>
        %mul3A_280 = arith.constant -0.0713548139 : f32
        %mul3A_281 = vector.broadcast %mul3A_280 : f32 to vector<16xf32>
        %mul3A_282 = arith.mulf %mul3A_279, %mul3A_281 : vector<16xf32>
        %add3A_283 = arith.constant -1.59576917 : f32
        %add3A_284 = vector.broadcast %add3A_283 : f32 to vector<16xf32>
        %add3A_285 = arith.addf %mul3A_282, %add3A_284 : vector<16xf32>
        %mul3A_286 = arith.mulf %add3A_278, %add3A_285 : vector<16xf32>
        %exp3A_287 = math.exp %mul3A_286 : vector<16xf32>
        %add3A_288 = arith.constant 1.000000e+00 : f32
        %add3A_289 = vector.broadcast %add3A_288 : f32 to vector<16xf32>
        %add3A_290 = arith.addf %exp3A_287, %add3A_289 : vector<16xf32>
        %mul3A_291 = arith.mulf %add3A_278, %get3A_273 : vector<16xf32>
        %div3A_292 = arith.divf %mul3A_291, %add3A_290 : vector<16xf32>
        %swap3A_293 = arith.index_cast %scan3A_45 : i32 to index
        %swap3A_294 = arith.constant 112 : index
        %swap3A_295 = tpu.vector_load %arg12[%swap3A_293, %swap3A_294] {strides = array<i32>} : memref<80x128xf32, #tpu.memory_space<vmem>>, vector<1x16xf32>,
        %swap3A_296 = vector.shape_cast %swap3A_295 : vector<1x16xf32> to vector<16xf32>
        %swap3A_297 = vector.shape_cast %div3A_292 : vector<16xf32> to vector<1x16xf32>
        tpu.vector_store %arg12[%swap3A_293, %swap3A_294], %swap3A_297 {strides = array<i32>} : memref<80x128xf32, #tpu.memory_space<vmem>>, vector<1x16xf32>,
      }
      %scan3A_44 = arith.constant 80 : i32
      "tpu.region"() ({
        %run_scoped3A = tpu.sem_alloc : memref<!tpu.dma_semaphore, #tpu.memory_space<semaphore_mem>>
        %dma_start3A = arith.constant 0 : i32
        %dma_start3A_45 = arith.constant 0 : i32
        %dma_start3A_46 = tpu.memref_slice %arg15[%dma_start3A, %dma_start3A_45] : memref<2048x128xf32, #tpu.memory_space<vmem_shared>> -> memref<2048x128xf32, #tpu.memory_space<vmem_shared>>
        tpu.enqueue_indirect_dma source(%arg12 : memref<80x128xf32, #tpu.memory_space<vmem>>) target(%dma_start3A_46 : memref<2048x128xf32, #tpu.memory_space<vmem_shared>>) offsets(%arg9 : memref<80xi32, #tpu.memory_space<vmem>>) semaphore(%run_scoped3A : memref<!tpu.dma_semaphore, #tpu.memory_space<semaphore_mem>>) {add = true}
        %dma_wait3A = arith.constant 0 : i32
        %dma_wait3A_47 = arith.constant 0 : i32
        %dma_wait3A_48 = tpu.memref_slice %arg15[%dma_wait3A, %dma_wait3A_47] : memref<2048x128xf32, #tpu.memory_space<vmem_shared>> -> memref<2048x128xf32, #tpu.memory_space<vmem_shared>>
        tpu.wait_indirect_dma semaphore(%run_scoped3A : memref<!tpu.dma_semaphore, #tpu.memory_space<semaphore_mem>>) src(%arg12 : memref<80x128xf32, #tpu.memory_space<vmem>>) dst(%dma_wait3A_48 : memref<2048x128xf32, #tpu.memory_space<vmem_shared>>)
        tpu.yield
      }) : () -> ()
      "tpu.region"() ({
        %run_scoped3A = tpu.sem_alloc : memref<!tpu.dma_semaphore, #tpu.memory_space<semaphore_mem>>
        %dma_start3A = arith.constant 0 : i32
        %dma_start3A_45 = arith.constant 0 : i32
        %dma_start3A_46 = tpu.memref_slice %arg16[%dma_start3A, %dma_start3A_45] : memref<2048x128xf32, #tpu.memory_space<vmem_shared>> -> memref<2048x128xf32, #tpu.memory_space<vmem_shared>>
        tpu.enqueue_indirect_dma source(%arg13 : memref<80x128xf32, #tpu.memory_space<vmem>>) target(%dma_start3A_46 : memref<2048x128xf32, #tpu.memory_space<vmem_shared>>) offsets(%arg9 : memref<80xi32, #tpu.memory_space<vmem>>) semaphore(%run_scoped3A : memref<!tpu.dma_semaphore, #tpu.memory_space<semaphore_mem>>) {add = true}
        %dma_wait3A = arith.constant 0 : i32
        %dma_wait3A_47 = arith.constant 0 : i32
        %dma_wait3A_48 = tpu.memref_slice %arg16[%dma_wait3A, %dma_wait3A_47] : memref<2048x128xf32, #tpu.memory_space<vmem_shared>> -> memref<2048x128xf32, #tpu.memory_space<vmem_shared>>
        tpu.wait_indirect_dma semaphore(%run_scoped3A : memref<!tpu.dma_semaphore, #tpu.memory_space<semaphore_mem>>) src(%arg13 : memref<80x128xf32, #tpu.memory_space<vmem>>) dst(%dma_wait3A_48 : memref<2048x128xf32, #tpu.memory_space<vmem_shared>>)
        tpu.yield
      }) : () -> ()
    }
    %scan3A_25 = arith.constant 125 : i32
    %barrier3A_26 = arith.constant 0 : index
    tpu.barrier barrier_id(%barrier3A_26)
    %mul3A_27 = arith.constant 128 : i32
    %mul3A_28 = arith.muli %arg1, %mul3A_27 : i32
    %mul3A_29 = arith.constant 128 : i32
    %mul3A_30 = arith.muli %arg1, %mul3A_29 : i32
    "tpu.region"() ({
      %run_scoped3A = tpu.sem_alloc : memref<!tpu.dma_semaphore, #tpu.memory_space<semaphore_mem>>
      %dma_start3A = arith.constant 0 : i32
      %dma_start3A_35 = tpu.memref_slice %arg6[%arg0, %mul3A_30, %dma_start3A] : memref<2x2048x128xf32, #tpu.memory_space<hbm>> -> memref<1x128x128xf32, #tpu.memory_space<hbm>>
      %dma_start3A_36 = tpu.memref_squeeze %dma_start3A_35 : memref<1x128x128xf32, #tpu.memory_space<hbm>> -> memref<128x128xf32, #tpu.memory_space<hbm>>
      %dma_start3A_37 = arith.constant 0 : i32
      %dma_start3A_38 = tpu.memref_slice %arg15[%mul3A_28, %dma_start3A_37] : memref<2048x128xf32, #tpu.memory_space<vmem_shared>> -> memref<128x128xf32, #tpu.memory_space<vmem_shared>>
      tpu.enqueue_dma source(%dma_start3A_38 : memref<128x128xf32, #tpu.memory_space<vmem_shared>>) target(%dma_start3A_36 : memref<128x128xf32, #tpu.memory_space<hbm>>) target_semaphore(%run_scoped3A : memref<!tpu.dma_semaphore, #tpu.memory_space<semaphore_mem>>)
      %dma_wait3A = arith.constant 0 : i32
      %dma_wait3A_39 = tpu.memref_slice %arg6[%arg0, %mul3A_30, %dma_wait3A] : memref<2x2048x128xf32, #tpu.memory_space<hbm>> -> memref<1x128x128xf32, #tpu.memory_space<hbm>>
      %dma_wait3A_40 = tpu.memref_squeeze %dma_wait3A_39 : memref<1x128x128xf32, #tpu.memory_space<hbm>> -> memref<128x128xf32, #tpu.memory_space<hbm>>
      %dma_wait3A_41 = arith.constant 0 : i32
      %dma_wait3A_42 = tpu.memref_slice %arg15[%mul3A_28, %dma_wait3A_41] : memref<2048x128xf32, #tpu.memory_space<vmem_shared>> -> memref<128x128xf32, #tpu.memory_space<vmem_shared>>
      tpu.wait_dma2 semaphore(%run_scoped3A : memref<!tpu.dma_semaphore, #tpu.memory_space<semaphore_mem>>) src(%dma_wait3A_42 : memref<128x128xf32, #tpu.memory_space<vmem_shared>>) dst(%dma_wait3A_40 : memref<128x128xf32, #tpu.memory_space<hbm>>)
      tpu.yield
    }) : () -> ()
    %mul3A_31 = arith.constant 128 : i32
    %mul3A_32 = arith.muli %arg1, %mul3A_31 : i32
    %mul3A_33 = arith.constant 128 : i32
    %mul3A_34 = arith.muli %arg1, %mul3A_33 : i32
    "tpu.region"() ({
      %run_scoped3A = tpu.sem_alloc : memref<!tpu.dma_semaphore, #tpu.memory_space<semaphore_mem>>
      %dma_start3A = arith.constant 0 : i32
      %dma_start3A_35 = tpu.memref_slice %arg7[%arg0, %mul3A_34, %dma_start3A] : memref<2x2048x128xf32, #tpu.memory_space<hbm>> -> memref<1x128x128xf32, #tpu.memory_space<hbm>>
      %dma_start3A_36 = tpu.memref_squeeze %dma_start3A_35 : memref<1x128x128xf32, #tpu.memory_space<hbm>> -> memref<128x128xf32, #tpu.memory_space<hbm>>
      %dma_start3A_37 = arith.constant 0 : i32
      %dma_start3A_38 = tpu.memref_slice %arg16[%mul3A_32, %dma_start3A_37] : memref<2048x128xf32, #tpu.memory_space<vmem_shared>> -> memref<128x128xf32, #tpu.memory_space<vmem_shared>>
      tpu.enqueue_dma source(%dma_start3A_38 : memref<128x128xf32, #tpu.memory_space<vmem_shared>>) target(%dma_start3A_36 : memref<128x128xf32, #tpu.memory_space<hbm>>) target_semaphore(%run_scoped3A : memref<!tpu.dma_semaphore, #tpu.memory_space<semaphore_mem>>)
      %dma_wait3A = arith.constant 0 : i32
      %dma_wait3A_39 = tpu.memref_slice %arg7[%arg0, %mul3A_34, %dma_wait3A] : memref<2x2048x128xf32, #tpu.memory_space<hbm>> -> memref<1x128x128xf32, #tpu.memory_space<hbm>>
      %dma_wait3A_40 = tpu.memref_squeeze %dma_wait3A_39 : memref<1x128x128xf32, #tpu.memory_space<hbm>> -> memref<128x128xf32, #tpu.memory_space<hbm>>
      %dma_wait3A_41 = arith.constant 0 : i32
      %dma_wait3A_42 = tpu.memref_slice %arg16[%mul3A_32, %dma_wait3A_41] : memref<2048x128xf32, #tpu.memory_space<vmem_shared>> -> memref<128x128xf32, #tpu.memory_space<vmem_shared>>
      tpu.wait_dma2 semaphore(%run_scoped3A : memref<!tpu.dma_semaphore, #tpu.memory_space<semaphore_mem>>) src(%dma_wait3A_42 : memref<128x128xf32, #tpu.memory_space<vmem_shared>>) dst(%dma_wait3A_40 : memref<128x128xf32, #tpu.memory_space<hbm>>)
      tpu.yield
    }) : () -> ()
    return
  }
}

module attributes {stable_mosaic.version = 14 : i64} {
  func.func @_dst_table_body(%arg0: memref<2048x8xf32, #tpu.memory_space<vmem>>, %arg1: memref<8x128xf32, #tpu.memory_space<vmem>>, %arg2: memref<1x128xf32, #tpu.memory_space<vmem>>, %arg3: memref<2048x128xf32, #tpu.memory_space<vmem>>) attributes {dimension_semantics = [], scalar_prefetch = 0 : i64, scratch_operands = 0 : i64, tpu.core_type = #tpu.core_type<tc>} {
    %get3A = arith.constant 0 : index
    %get3A_0 = arith.constant 0 : index
    %get3A_1 = vector.load %arg0[%get3A, %get3A_0] : memref<2048x8xf32, #tpu.memory_space<vmem>>, vector<2048x8xf32>
    %get3A_2 = arith.constant 0 : index
    %get3A_3 = arith.constant 0 : index
    %get3A_4 = vector.load %arg1[%get3A_2, %get3A_3] : memref<8x128xf32, #tpu.memory_space<vmem>>, vector<8x128xf32>
    %dot_general3A = arith.constant dense<0.000000e+00> : vector<2048x128xf32>
    %dot_general3A_5 = tpu.matmul %get3A_1, %get3A_4, %dot_general3A {dimension_numbers = #tpu.dot_dimension_numbers<[1], [0], [0], [1], [0, 0, 1, 1], [], []>, transpose_lhs_hint = false} : vector<2048x8xf32>, vector<8x128xf32>, vector<2048x128xf32> -> vector<2048x128xf32>
    %get3A_6 = arith.constant 0 : index
    %get3A_7 = arith.constant 0 : index
    %get3A_8 = vector.load %arg2[%get3A_6, %get3A_7] : memref<1x128xf32, #tpu.memory_space<vmem>>, vector<1x128xf32>
    %add3A = vector.broadcast %get3A_8 : vector<1x128xf32> to vector<2048x128xf32>
    %add3A_9 = arith.addf %dot_general3A_5, %add3A : vector<2048x128xf32>
    %swap3A = arith.constant 0 : index
    %swap3A_10 = arith.constant 0 : index
    %swap3A_11 = vector.load %arg3[%swap3A, %swap3A_10] : memref<2048x128xf32, #tpu.memory_space<vmem>>, vector<2048x128xf32>
    tpu.vector_store %arg3[%swap3A, %swap3A_10], %add3A_9 {strides = array<i32>} : memref<2048x128xf32, #tpu.memory_space<vmem>>, vector<2048x128xf32>,
    return
  }
}

module attributes {stable_mosaic.version = 14 : i64} {
  func.func @_src_table_body(%arg0: i32, %arg1: memref<2000x128xf32, #tpu.memory_space<vmem>>, %arg2: memref<2000x8xf32, #tpu.memory_space<vmem>>, %arg3: memref<8x128xf32, #tpu.memory_space<vmem>>, %arg4: memref<128x128xf32, #tpu.memory_space<vmem>>, %arg5: memref<1x128xf32, #tpu.memory_space<vmem>>, %arg6: memref<2000x256xf32, #tpu.memory_space<vmem>>) attributes {dimension_semantics = [#tpu.dimension_semantics<arbitrary>], iteration_bounds = array<i64: 5>, scalar_prefetch = 0 : i64, scratch_operands = 0 : i64, tpu.core_type = #tpu.core_type<tc>, window_params = [{transform_indices = @transform_0, window_bounds = array<i64: 2000, 128>}, {transform_indices = @transform_1, window_bounds = array<i64: 2000, 8>}, {pipeline_mode = #tpu.pipeline_mode<synchronous>, transform_indices = @transform_2, window_bounds = array<i64: 8, 128>}, {pipeline_mode = #tpu.pipeline_mode<synchronous>, transform_indices = @transform_3, window_bounds = array<i64: 128, 128>}, {pipeline_mode = #tpu.pipeline_mode<synchronous>, transform_indices = @transform_4, window_bounds = array<i64: 1, 128>}, {transform_indices = @transform_5, window_bounds = array<i64: 2000, 256>}]} {
    %get3A = arith.constant 0 : index
    %get3A_0 = arith.constant 0 : index
    %get3A_1 = vector.load %arg2[%get3A, %get3A_0] : memref<2000x8xf32, #tpu.memory_space<vmem>>, vector<2000x8xf32>
    %get3A_2 = arith.constant 0 : index
    %get3A_3 = arith.constant 0 : index
    %get3A_4 = vector.load %arg3[%get3A_2, %get3A_3] : memref<8x128xf32, #tpu.memory_space<vmem>>, vector<8x128xf32>
    %dot_general3A = arith.constant dense<0.000000e+00> : vector<2000x128xf32>
    %dot_general3A_5 = tpu.matmul %get3A_1, %get3A_4, %dot_general3A {dimension_numbers = #tpu.dot_dimension_numbers<[1], [0], [0], [1], [0, 0, 1, 1], [], []>, transpose_lhs_hint = false} : vector<2000x8xf32>, vector<8x128xf32>, vector<2000x128xf32> -> vector<2000x128xf32>
    %swap3A = arith.constant 0 : index
    %swap3A_6 = arith.constant 0 : index
    %swap3A_7 = vector.load %arg6[%swap3A, %swap3A_6] : memref<2000x256xf32, #tpu.memory_space<vmem>>, vector<2000x128xf32>
    tpu.vector_store %arg6[%swap3A, %swap3A_6], %dot_general3A_5 {strides = array<i32>} : memref<2000x256xf32, #tpu.memory_space<vmem>>, vector<2000x128xf32>,
    %get3A_8 = arith.constant 0 : index
    %get3A_9 = arith.constant 0 : index
    %get3A_10 = vector.load %arg1[%get3A_8, %get3A_9] : memref<2000x128xf32, #tpu.memory_space<vmem>>, vector<2000x128xf32>
    %get3A_11 = arith.constant 0 : index
    %get3A_12 = arith.constant 0 : index
    %get3A_13 = vector.load %arg4[%get3A_11, %get3A_12] : memref<128x128xf32, #tpu.memory_space<vmem>>, vector<128x128xf32>
    %dot_general3A_14 = arith.constant dense<0.000000e+00> : vector<2000x128xf32>
    %dot_general3A_15 = tpu.matmul %get3A_10, %get3A_13, %dot_general3A_14 {dimension_numbers = #tpu.dot_dimension_numbers<[1], [0], [0], [1], [0, 0, 1, 1], [], []>, transpose_lhs_hint = false} : vector<2000x128xf32>, vector<128x128xf32>, vector<2000x128xf32> -> vector<2000x128xf32>
    %get3A_16 = arith.constant 0 : index
    %get3A_17 = arith.constant 0 : index
    %get3A_18 = vector.load %arg5[%get3A_16, %get3A_17] : memref<1x128xf32, #tpu.memory_space<vmem>>, vector<1x128xf32>
    %add3A = vector.broadcast %get3A_18 : vector<1x128xf32> to vector<2000x128xf32>
    %add3A_19 = arith.addf %dot_general3A_15, %add3A : vector<2000x128xf32>
    %swap3A_20 = arith.constant 0 : index
    %swap3A_21 = arith.constant 128 : index
    %swap3A_22 = vector.load %arg6[%swap3A_20, %swap3A_21] : memref<2000x256xf32, #tpu.memory_space<vmem>>, vector<2000x128xf32>
    tpu.vector_store %arg6[%swap3A_20, %swap3A_21], %add3A_19 {strides = array<i32>} : memref<2000x256xf32, #tpu.memory_space<vmem>>, vector<2000x128xf32>,
    return
  }
  func.func @transform_0(%arg0: i32) -> (i32, i32) {
    %c0_i32 = arith.constant 0 : i32
    %c0_i32_0 = arith.constant 0 : i32
    return %arg0, %c0_i32 : i32, i32
  }
  func.func @transform_1(%arg0: i32) -> (i32, i32) {
    %c0_i32 = arith.constant 0 : i32
    %c0_i32_0 = arith.constant 0 : i32
    return %arg0, %c0_i32 : i32, i32
  }
  func.func @transform_2(%arg0: i32) -> (i32, i32) {
    %c0_i32 = arith.constant 0 : i32
    %c0_i32_0 = arith.constant 0 : i32
    %c0_i32_1 = arith.constant 0 : i32
    return %c0_i32, %c0_i32_0 : i32, i32
  }
  func.func @transform_3(%arg0: i32) -> (i32, i32) {
    %c0_i32 = arith.constant 0 : i32
    %c0_i32_0 = arith.constant 0 : i32
    %c0_i32_1 = arith.constant 0 : i32
    return %c0_i32, %c0_i32_0 : i32, i32
  }
  func.func @transform_4(%arg0: i32) -> (i32, i32) {
    %c0_i32 = arith.constant 0 : i32
    %c0_i32_0 = arith.constant 0 : i32
    %c0_i32_1 = arith.constant 0 : i32
    return %c0_i32, %c0_i32_0 : i32, i32
  }
  func.func @transform_5(%arg0: i32) -> (i32, i32) {
    %c0_i32 = arith.constant 0 : i32
    %c0_i32_0 = arith.constant 0 : i32
    return %arg0, %c0_i32 : i32, i32
  }
}

module attributes {stable_mosaic.version = 14 : i64} {
  func.func @_epilogue_body(%arg0: memref<2x2048x128xf32, #tpu.memory_space<vmem>>, %arg1: memref<2x2048x128xf32, #tpu.memory_space<vmem>>, %arg2: memref<128x128xf32, #tpu.memory_space<vmem>>, %arg3: memref<1x128xf32, #tpu.memory_space<vmem>>, %arg4: memref<2048x128xf32, #tpu.memory_space<vmem>>) attributes {dimension_semantics = [], scalar_prefetch = 0 : i64, scratch_operands = 0 : i64, tpu.core_type = #tpu.core_type<tc>} {
    %get3A = arith.constant 0 : index
    %get3A_0 = arith.constant 0 : index
    %get3A_1 = arith.constant 0 : index
    %get3A_2 = vector.load %arg0[%get3A, %get3A_0, %get3A_1] : memref<2x2048x128xf32, #tpu.memory_space<vmem>>, vector<1x2048x128xf32>
    %get3A_3 = vector.shape_cast %get3A_2 : vector<1x2048x128xf32> to vector<2048x128xf32>
    %get3A_4 = arith.constant 1 : index
    %get3A_5 = arith.constant 0 : index
    %get3A_6 = arith.constant 0 : index
    %get3A_7 = vector.load %arg0[%get3A_4, %get3A_5, %get3A_6] : memref<2x2048x128xf32, #tpu.memory_space<vmem>>, vector<1x2048x128xf32>
    %get3A_8 = vector.shape_cast %get3A_7 : vector<1x2048x128xf32> to vector<2048x128xf32>
    %add3A = arith.addf %get3A_3, %get3A_8 : vector<2048x128xf32>
    %get3A_9 = arith.constant 0 : index
    %get3A_10 = arith.constant 0 : index
    %get3A_11 = arith.constant 0 : index
    %get3A_12 = vector.load %arg1[%get3A_9, %get3A_10, %get3A_11] : memref<2x2048x128xf32, #tpu.memory_space<vmem>>, vector<1x2048x1xf32>
    %get3A_13 = vector.shape_cast %get3A_12 : vector<1x2048x1xf32> to vector<2048x1xf32>
    %get3A_14 = arith.constant 1 : index
    %get3A_15 = arith.constant 0 : index
    %get3A_16 = arith.constant 0 : index
    %get3A_17 = vector.load %arg1[%get3A_14, %get3A_15, %get3A_16] : memref<2x2048x128xf32, #tpu.memory_space<vmem>>, vector<1x2048x1xf32>
    %get3A_18 = vector.shape_cast %get3A_17 : vector<1x2048x1xf32> to vector<2048x1xf32>
    %add3A_19 = arith.addf %get3A_13, %get3A_18 : vector<2048x1xf32>
    %max3A = arith.constant 1.000000e+00 : f32
    %max3A_20 = vector.broadcast %max3A : f32 to vector<2048x1xf32>
    %max3A_21 = arith.maximumf %add3A_19, %max3A_20 : vector<2048x1xf32>
    %div3A = vector.broadcast %max3A_21 : vector<2048x1xf32> to vector<2048x128xf32>
    %div3A_22 = arith.divf %add3A, %div3A : vector<2048x128xf32>
    %get3A_23 = arith.constant 0 : index
    %get3A_24 = arith.constant 0 : index
    %get3A_25 = vector.load %arg2[%get3A_23, %get3A_24] : memref<128x128xf32, #tpu.memory_space<vmem>>, vector<128x128xf32>
    %dot_general3A = arith.constant dense<0.000000e+00> : vector<2048x128xf32>
    %dot_general3A_26 = tpu.matmul %div3A_22, %get3A_25, %dot_general3A {dimension_numbers = #tpu.dot_dimension_numbers<[1], [0], [0], [1], [0, 0, 1, 1], [], []>, transpose_lhs_hint = false} : vector<2048x128xf32>, vector<128x128xf32>, vector<2048x128xf32> -> vector<2048x128xf32>
    %get3A_27 = arith.constant 0 : index
    %get3A_28 = arith.constant 0 : index
    %get3A_29 = vector.load %arg3[%get3A_27, %get3A_28] : memref<1x128xf32, #tpu.memory_space<vmem>>, vector<1x128xf32>
    %add3A_30 = vector.broadcast %get3A_29 : vector<1x128xf32> to vector<2048x128xf32>
    %add3A_31 = arith.addf %dot_general3A_26, %add3A_30 : vector<2048x128xf32>
    %swap3A = arith.constant 0 : index
    %swap3A_32 = arith.constant 0 : index
    %swap3A_33 = vector.load %arg4[%swap3A, %swap3A_32] : memref<2048x128xf32, #tpu.memory_space<vmem>>, vector<2048x128xf32>
    tpu.vector_store %arg4[%swap3A, %swap3A_32], %add3A_31 {strides = array<i32>} : memref<2048x128xf32, #tpu.memory_space<vmem>>, vector<2048x128xf32>,
    return
  }
}

</mosaic_0001>

<sc_bundles>
// kernel: kernel.6.cloned.1.call-start
scs
__scs_entry_jumppad:
0x0: {  	(pc) =	sbr.rel $0x88, $3  }
0x1: {  	(tag) =	ssettag $0x0;
	lr =	simm.s32 $0x1  }
0x2: {  	[smem:$0x3F97] =	sst lr;
	_ =	strace $0xD0000000  }
0x3: {  	_ = 	snop  }
0x4: {  	_ = 	snop  }
0x5: {  	_ = 	snop  }
0x6: {  	_ = 	snop  }
0x7: {  	_ = 	snop  }
__scs_overlays_trampoline_lowered:
0x8: {  	[smem:$0x3FA6] =	sst s0  }
0x9: {  	[smem:$0x3FA7] =	sst s1  }
0xa: {  	[smem:$0x3FA8] =	sst s2  }
0xb: {  	[smem:$0x3FA9] =	sst s3  }
0xc: {  	[smem:$0x3FAA] =	sst s4  }
0xd: {  	[smem:$0x3FAB] =	sst s5  }
0xe: {  	[smem:$0x3FAC] =	sst s6  }
0xf: {  	[smem:$0x3FAD] =	sst s7  }
0x10: {  	[smem:$0x3FAE] =	sst s8  }
0x11: {  	[smem:$0x3FAF] =	sst s9;
	s0 =	simm.s32 @!p0 $0x0  }
0x12: {  	s1 =	sld [smem:$0x3F95];
	s0 =	simm.s32 @p0 $0x1  }
0x13: {  	[smem:$0x3FB0] =	sst s0;
	s0 =	simm.s32 @!p1 $0x0  }
0x14: {  	s2 =	sld [smem:$0x3F94];
	s0 =	simm.s32 @p1 $0x1  }
0x15: {  	[smem:$0x3FB1] =	sst s0;
	s0 =	simm.s32 @!p2 $0x0  }
0x16: {  	s3 =	sld [smem:$0x3FDB];
	s0 =	simm.s32 @p2 $0x1  }
0x17: {  	s4 =	simm.s32 $0x1BF5;
	[smem:$0x3FB3] =	sst s0  }
0x18: {  	s0 =	sld [smem:$0x3F96];
	_ =	swait.ge [sflag:s4], $0x0  }
0x19: {  	s7 =	sld [smem:$0x3F97]  }
0x1a: {  	s8 =	sadd.s32 $0xFFFFE003, lr  }
0x1b: {  	s9 =	sadd.s32 $0xFFFFFEF7, lr;
	s5 =	simm.s32 $0xFFFFFFFF;
	p2 =	slt.u32 s8, $0xFFFFF086  }
0x1c: {  	p1 =	slt.u32 s9, $0xF7A;
	s5 =	simm.s32 @!p2 $0x0  }
0x1d: {  	s5 =	simm.s32 @p1 $0x1;
	p0 =	seq.s32 s7, s2  }
0x1e: {  	s7 =	smul.u32 @!p0 $0xF7A, s2;
	p2 =	seq.s32 @!p0 s5, $0x0  }
0x1f: {  	s9 =	smul.u32 $0xF7A, s1;
	s8 =	simm.s32 @!p0 $0x1BF5;
	p2 =	por !p2, p0  }
0x20: {  	[sflag:s8] =	ssyncset.s32 @!p0 $0xFFFFF086;
	s6 =	sadd.s32 @!p0 s3, s7;
	s7 =	simm.s32 @!p0 $0x108  }
0x21: {  	s3 =	sadd.s32 s3, s9;
	s6 =	sadd.s32 @!p0 $0x88, s6;
	s7 =	simm.s32 @p2 $0x1082  }
0x22: {  	[simem:s7], [sflag:s8] =	dma.local @!p0 [hbm:s6], $0xF7A  }
0x23: {  	s9 =	sor.u32 $0xD0000000, s2;
	s6 =	simm.s32 $0x108;
	_ =	swait.ge @!p0 [sflag:s8], $0x0  }
0x24: {  	s3 =	sadd.s32 $0x88, s3;
	s6 =	simm.s32 @!p1 $0x1082;
	[sflag:s4] =	ssyncset.s32 $0xFFFFF086  }
0x25: {  	[simem:s6], [sflag:s4] =	dma.local [hbm:s3], $0xF7A  }
0x26: {  	[smem:$0x3F97] =	sst s1;
	(tag) =	ssettag s2;
	_ =	strace s9  }
0x27: {  	s1 =	sld [smem:$0x3FA7]  }
0x28: {  	s2 =	sld [smem:$0x3FA8]  }
0x29: {  	s4 =	sld [smem:$0x3FAA]  }
0x2a: {  	p0 =	seq.s32 s5, $0x0;
	s5 =	sld [smem:$0x3FAB]  }
0x2b: {  	s6 =	sld [smem:$0x3FAC]  }
0x2c: {  	s7 =	sld [smem:$0x3FAD]  }
0x2d: {  	s3 =	simm.s32 $0x108;
	s8 =	sld [smem:$0x3FAE]  }
0x2e: {  	s3 =	simm.s32 @!p0 $0x1082;
	s9 =	sld [smem:$0x3FAF]  }
0x2f: {  	lr =	sadd.s32 s0, s3;
	s0 =	sld [smem:$0x3FA6]  }
0x30: {  	s3 =	sld [smem:$0x3FA9]  }
0x31: {  	[smem:$0x3FB2] =	sst s10  }
0x32: {  	s10 =	sld [smem:$0x3FB0];
	_ =	sdelay $0x3  }
0x33: {  	p0 =	seq.s32 s10, $0x1;
	s10 =	sld [smem:$0x3FB2];
	_ =	sdelay $0x3  }
0x34: {  	[smem:$0x3FB2] =	sst s10  }
0x35: {  	s10 =	sld [smem:$0x3FB1];
	_ =	sdelay $0x3  }
0x36: {  	p1 =	seq.s32 s10, $0x1;
	s10 =	sld [smem:$0x3FB2];
	_ =	sdelay $0x3  }
0x37: {  	[smem:$0x3FB2] =	sst s10  }
0x38: {  	s10 =	sld [smem:$0x3FB3]  }
0x39: {  	_ = 	snop;
	(pc) =	sbr.ind lr, $3  }
0x3a: {  	_ = 	snop  }
0x3b: {  	_ = 	snop  }
0x3c: {  	p2 =	seq.s32 s10, $0x1;
	s10 =	sld [smem:$0x3FB2]  }
0x3d: {  	_ =	shalt  }
0x3e: {  	_ =	shalt  }
0x3f: {  	_ =	shalt  }
0x40: {  	_ =	shalt  }
0x41: {  	_ =	shalt  }
0x42: {  	_ =	shalt  }
0x43: {  	_ =	shalt  }
0x44: {  	_ =	shalt  }
0x45: {  	_ =	shalt  }
0x46: {  	_ =	shalt  }
0x47: {  	_ =	shalt  }
0x48: {  	_ =	shalt  }
0x49: {  	_ =	shalt  }
0x4a: {  	_ =	shalt  }
0x4b: {  	_ =	shalt  }
0x4c: {  	_ =	shalt  }
0x4d: {  	_ =	shalt  }
0x4e: {  	_ =	shalt  }
0x4f: {  	_ =	shalt  }
0x50: {  	_ =	shalt  }
0x51: {  	_ =	shalt  }
0x52: {  	_ =	shalt  }
0x53: {  	_ =	shalt  }
0x54: {  	_ =	shalt  }
0x55: {  	_ =	shalt  }
0x56: {  	_ =	shalt  }
0x57: {  	_ =	shalt  }
0x58: {  	_ =	shalt  }
0x59: {  	_ =	shalt  }
0x5a: {  	_ =	shalt  }
0x5b: {  	_ =	shalt  }
0x5c: {  	_ =	shalt  }
0x5d: {  	_ =	shalt  }
0x5e: {  	_ =	shalt  }
0x5f: {  	_ =	shalt  }
0x60: {  	_ =	shalt  }
0x61: {  	_ =	shalt  }
0x62: {  	_ =	shalt  }
0x63: {  	_ =	shalt  }
0x64: {  	_ =	shalt  }
0x65: {  	_ =	shalt  }
0x66: {  	_ =	shalt  }
0x67: {  	_ =	shalt  }
0x68: {  	_ =	shalt  }
0x69: {  	_ =	shalt  }
0x6a: {  	_ =	shalt  }
0x6b: {  	_ =	shalt  }
0x6c: {  	_ =	shalt  }
0x6d: {  	_ =	shalt  }
0x6e: {  	_ =	shalt  }
0x6f: {  	_ =	shalt  }
0x70: {  	_ =	shalt  }
0x71: {  	_ =	shalt  }
0x72: {  	_ =	shalt  }
0x73: {  	_ =	shalt  }
0x74: {  	_ =	shalt  }
0x75: {  	_ =	shalt  }
0x76: {  	_ =	shalt  }
0x77: {  	_ =	shalt  }
0x78: {  	_ =	shalt  }
0x79: {  	_ =	shalt  }
0x7a: {  	_ =	shalt  }
0x7b: {  	_ =	shalt  }
0x7c: {  	_ =	shalt  }
0x7d: {  	_ =	shalt  }
0x7e: {  	_ =	shalt  }
0x7f: {  	_ =	shalt  }
0x80: {  	_ =	shalt  }
0x81: {  	_ =	shalt  }
0x82: {  	_ =	shalt  }
0x83: {  	_ =	shalt  }
0x84: {  	_ =	shalt  }
0x85: {  	_ =	shalt  }
0x86: {  	_ =	shalt  }
0x87: {  	_ =	shalt  }
.Lfunc_end0:
.L_simem_size_0:
called_computation_lowered:
.L_overlay_start_0:
0x88: {  	s2 =	sld [smem:$0x3FD9]  }
0x89: {  	s3 =	sld [smem:$0x3FFE];
	_ =	sdelay $0x1  }
0x8a: {  	s1 =	srdreg.scid  }
0x8b: {  	s0 =	sand.u32 $0x1, s1  }
0x8c: {  	s17 =	sshll.u32 s0, $0xA;
	s2 =	sadd.s32 s3, s2  }
0x8d: {  	s2 =	sadd.s32 s2, s17  }
0x8e: {  	[smem:$0x3FBE] =	sst s2  }
0x8f: {  	_ = 	snop  }
0x90: {  	s2 =	sld [smem:$0x3FD0];
	(tm) =	ssettm $0x1  }
0x91: {  	s18 =	sld [smem:$0x3FFB];
	_ =	sdelay $0x3  }
0x92: {  	_ =	strace s18  }
0x93: {  	s3 =	sld [smem:$0x3FFC];
	_ =	sdelay $0x3  }
0x94: {  	_ =	strace s3  }
0x95: {  	s3 =	sld [smem:$0x3FFD];
	_ =	sdelay $0x3  }
0x96: {  	_ =	strace s3  }
0x97: {  	_ =	strace $0x8FFFFFFF  }
0x98: {  	s19 =	sld [smem:$0x3FDB];
	_ =	sdelay $0x1  }
0x99: {  	s4 =	simm.s32 $_scs_section_size  }
0x9a: {  	s5 =	simm.s32 $_size__tile_overlayer_lowered;
	s6 =	simm.s32 $_tile_overlayer_lowered  }
0x9b: {  	s22 =	simm.s32 $0x1BFF;
	s21 =	sshll.u32 s6, $0x1;
	s3 =	sadd.s32 s4, s19  }
0x9c: {  	s7 =	simm.s32 $0x0;
	s20 =	sshll.u32 s5, $0x1;
	s5 =	sadd.s32 s21, s3  }
0x9d: {  	[timem:s7], [sflag:s22] =	dma.local [hbm:s5], s20  }
0x9e: {  	_ =	swait.ge [sflag:s22], s20  }
0x9f: {  	s4 =	ssub.s32 $0x0, s20;
	[sflag:s22] =	ssyncset.done $0x0  }
0xa0: {  	[sflag:s22] =	ssyncadd.s32 s4;
	_ =	sdelay $0x1  }
0xa1: {  	s23 =	simm.s32 $0x1B8B  }
0xa2: {  	_ =	swait.ge [sflag:s23], $0x1  }
0xa3: {  	[sflag:s23] =	ssyncset.done $0x0  }
0xa4: {  	s25 =	simm.s32 $0x1B8E;
	s24 =	sld [smem:$0x3FFE];
	[sflag:s23] =	ssyncadd.s32 $0xFFFFFFFF  }
0xa5: {  	s26 =	simm.s32 $execute0_lowered;
	[smem:$0x3FD2] =	sst s25  }
0xa6: {  	s5 =	sshll.u32 s26, $0x1;
	_ =	strace $0x80000046;
	[dreg:$0x1] =	wrdreg $0xFFFFFFFF  }
0xa7: {  	s28 =	simm.s32 $_size_execute0_lowered;
	s3 =	sadd.s32 s3, s5;
	[dreg:$0x0] =	wrdreg $0x0  }
0xa8: {  	s5 =	sshll.u32 s28, $0x1;
	[dreg:$0x2] =	wrdreg s3  }
0xa9: {  	[dreg:$0x3] =	wrdreg s5  }
0xaa: {  	[dreg:$0x4] =	wrdreg $0xC0  }
0xab: {  	_ =	task [dreg:s7], $0x5FFFF  }
0xac: {  	[dreg:$0x1] =	wrdreg $0xFFFFFFFF  }
0xad: {  	[dreg:$0x0] =	wrdreg $0x60  }
0xae: {  	[dreg:$0x2] =	wrdreg s24  }
0xaf: {  	[dreg:$0x3] =	wrdreg s2  }
0xb0: {  	[dreg:$0x4] =	wrdreg $0xD1000  }
0xb1: {  	[dreg:$0x5] =	wrdreg $0x111000  }
0xb2: {  	[dreg:$0x6] =	wrdreg $0x9  }
0xb3: {  	_ =	task.clear_ibuf [dreg:s7], $0x7FFFF;
	_ =	strace $0x90000046  }
0xb4: {  	s29 =	simm.s32 $0x9;
	_ =	strace $0x80000048  }
0xb5: {  	_ =	swait.ge [sflag:s29], $0x1  }
0xb6: {  	[sflag:s29] =	ssyncadd.s32 $0xFFFFFFFF  }
0xb7: {  	_ =	strace $0x90000048  }
0xb8: {  	_ =	sfence  }
0xb9: {  	s30 =	sld [smem:$0x0];
	_ =	sdelay $0x2  }
0xba: {  	s31 =	sshll.u32 s1, $0xD;
	s1 =	sshrl.u32 s1, $0x2  }
0xbb: {  	s3 =	sand.u32 $0x4000, s31;
	s1 =	sadd.s32 s1, s30  }
0xbc: {  	s0 =	sor.u32 s3, s0;
	s1 =	sshll.u32 s1, $0x11  }
0xbd: {  	s0 =	sor.u32 s1, s0  }
0xbe: {  	s0 =	sadd.s32 $0x8F2B, s0  }
0xbf: {  	[sflag:s0] =	ssyncadd.remote.s32 $0x1  }
0xc0: {  	_ =	sfence.sel $0xFFFF  }
0xc1: {  	[dreg:$0x0] =	wrdreg $0xFFFFFFFF;
	(pc) =	sbr.abs _section_cstart, $3  }
0xc2: {  	[dreg:$0x1] =	wrdreg $0xFFFFFFFF  }
0xc3: {  	_ =	task.clear_ibuf [dreg:s7], $0x2FFFF;
	_ =	strace $0x9FFFFFFF  }
0xc4: {  	(tm) =	ssettm $0x7FFFFFFF  }
0xc5: {  	_ =	shalt  }
tec
execute0_lowered:
.L_overlay_start_1:
0x0: {  	(tag) =	ssettag $0x1  }
0x1: {  	s0 =	rddreg [dreg:$0x0]  }
0x2: {  	s1 =	rddreg [dreg:$0x1]  }
0x3: {  	s2 =	rddreg [dreg:$0x2]  }
0x4: {  	s3 =	rddreg [dreg:$0x3];
	s4 =	simm.s32 $0x0  }
0x5: {  	s10 =	srdreg.scid;
	s12 =	stileid.u32;
	s31 =	simm.s32 $0x1  }
0x6: {  	[smem:$0x7FF] =	sst s4;
	s6 =	sadd.s32 $0x15C00, s0;
	s4 =	sand.u32 $0x1, s10  }
0x7: {  	s7 =	sadd.s32 $0xBE00, s0;
	s5 =	sshll.u32 s12, $0xE;
	s8 =	sadd.s32 $0x2000, s0  }
0x8: {  	s12 =	sshll.u32 s12, $0x1;
	_ =	strace $0x80000047;
	s9 =	sshll.u32 s4, $0x12  }
0x9: {  	s10 =	ssub.s32 $0x2, s4;
	s4 =	sor.u32 s4, s12;
	s26 =	sadd.s32 s5, s2  }
0xa: {  	s13 =	sor.u32 $0x800, s5;
	s15 =	sor.u32 $0x1000, s5;
	s17 =	sor.u32 $0x1800, s5  }
0xb: {  	s19 =	sor.u32 $0x2000, s5;
	s28 =	sadd.s32 s5, s3;
	[dreg:$0x6] =	wrdreg s26  }
0xc: {  	s21 =	sor.u32 $0x2800, s5;
	s14 =	sadd.s32 s13, s2;
	[dreg:$0x13] =	wrdreg s28  }
0xd: {  	s23 =	sor.u32 $0x3000, s5;
	s16 =	sadd.s32 s15, s2;
	[dreg:$0x9] =	wrdreg s14  }
0xe: {  	s24 =	sor.u32 $0x3800, s5;
	s18 =	sadd.s32 s17, s2;
	[dreg:$0xb] =	wrdreg s16  }
0xf: {  	s9 =	sor.u32 s5, s9;
	s20 =	sadd.s32 s19, s2;
	[dreg:$0xd] =	wrdreg s18  }
0x10: {  	s11 =	sshrl.u32 s10, $0x1;
	s22 =	sadd.s32 s21, s2;
	[dreg:$0xf] =	wrdreg s20  }
0x11: {  	s25 =	sadd.s32 s23, s2;
	s29 =	sadd.s32 s24, s2;
	[dreg:$0x11] =	wrdreg s22  }
0x12: {  	s30 =	sadd.s32 s24, s3;
	s5 =	simm.s32 $0x100;
	[dreg:$0x14] =	wrdreg s25  }
0x13: {  	s9 =	sshrl.u32 s9, $0x3;
	s10 =	ssub.s32 s10, s11;
	[dreg:$0x16] =	wrdreg s29  }
0x14: {  	[dreg:$0x17] =	wrdreg s30;
	s14 =	simm.s32 $0x2900;
	s16 =	simm.s32 $0x3900  }
0x15: {  	s18 =	simm.s32 $0x4900;
	s20 =	simm.s32 $0x5100;
	s22 =	simm.s32 $0xA100  }
0x16: {  	s0 =	sadd.s32 s9, s0;
	s9 =	smul.u32 $0x2710, s4;
	s12 =	smax.u32 s10, $0x1  }
0x17: {  	s4 =	simm.s32 $0x900;
	s11 =	sadd.s32 $0x63E00, s0;
	[dreg:$0x8] =	wrdreg s12  }
0x18: {  	s10 =	simm.s32 $0x1100;
	s0 =	sadd.s32 $0x73E00, s0;
	[dreg:$0x5] =	wrdreg s11  }
0x19: {  	s12 =	simm.s32 $0x1900;
	[dreg:$0x7] =	wrdreg s0;
	s0 =	sadd.s32 s13, s3  }
0x1a: {  	s13 =	simm.s32 $0x2100;
	[dreg:$0xa] =	wrdreg s0;
	s0 =	sadd.s32 s15, s3  }
0x1b: {  	s15 =	simm.s32 $0x3100;
	[dreg:$0xc] =	wrdreg s0;
	s0 =	sadd.s32 s17, s3  }
0x1c: {  	s17 =	simm.s32 $0x4100;
	[dreg:$0xe] =	wrdreg s0;
	s0 =	sadd.s32 s19, s3  }
0x1d: {  	v0 =	vimm.f32 $0.0e+00;
	v4 =	vlaneseq.u32;
	s19 =	simm.s32 $0x50;
	[dreg:$0x10] =	wrdreg s0;
	s0 =	sadd.s32 s21, s3  }
0x1e: {  	v1 =	vimm.f32 $1.000000000e+00;
	vm0 =	vmmov $0xffff;
	v3 =	vshrl.u32 v4, $0x3;
	s21 =	simm.s32 $0x7900;
	[dreg:$0x12] =	wrdreg s0;
	s0 =	sadd.s32 s23, s3  }
0x1f: {  	v2 =	vand.u32 $0x7, v4;
	v4 =	vor.u32 $0x8, v4;
	v3 =	vmul.u32 $0x8, v3;
	s23 =	simm.s32 $0x0;
	[dreg:$0x15] =	wrdreg s0;
	s0 =	simm.s32 $0x80  }
.LBB2_1:
0x20: {  	s30 =	simm.s32 $0x0  }
0x21: {  	s11 =	sand.u32 $0x1E00, s30  }
0x22: {  	[dreg:$0x18] =	wrdreg s23;
	s23 =	sand.u32 $0x70, s30;
	s24 =	sshrl.u32 s11, $0x2  }
0x23: {  	s11 =	simm.s32 $0x40;
	s24 =	sor.u32 s23, s24;
	s23 =	simm.s32 $0x0  }
.LBB2_2:
0x24: {  	p0 =	sne.s32 s11, $0x1FC0  }
0x25: {  	[tilespmem:s24+$0xC900] =	vst v0;
	s23 =	sadd.s32 $0x10, s23;
	s24 =	smov.u32 s11;
	s11 =	sadd.s32 $0x40, s11  }
.Ltmp0:
0x26: {  	(pc) =	sbr.rel @p0 .LBB2_2-.Ltmp0, $4  }
0x27: {  	_ = 	snop  }
0x28: {  	s24 =	sand.u32 $0x1E00, s24  }
0x29: {  	s25 =	sand.u32 $0x70, s23;
	s24 =	sshrl.u32 s24, $0x2  }
0x2a: {  	s24 =	sor.u32 s25, s24  }
0x2b: {  	[tilespmem:s24+$0xC900] =	vst v0;
	s23 =	simm.s32 $0xC900  }
0x2c: {  	[spmem:s26] =	stream.linear.scatter [tilespmem:s23], [sflag:$0x1], $0x800, $0x38;
	[tilespmem:$0x15100] =	vst v63  }
0x2d: {  	_ =	swait.ge [sflag:s31], $0x800  }
0x2e: {  	[sflag:s31] =	ssyncset.done $0x0  }
0x2f: {  	[sflag:s31] =	ssyncadd.s32 $0xFFFFF800  }
0x30: {  	[spmem:s28] =	stream.linear.scatter [tilespmem:s23], [sflag:$0x1], $0x800, $0x38;
	[tilespmem:$0x15100] =	vst v63  }
0x31: {  	_ =	swait.ge [sflag:s31], $0x800  }
0x32: {  	[sflag:s31] =	ssyncset.done $0x0  }
0x33: {  	s11 =	rddreg [dreg:$0x9];
	[sflag:s31] =	ssyncadd.s32 $0xFFFFF800  }
0x34: {  	[spmem:s11] =	stream.linear.scatter [tilespmem:s23], [sflag:$0x1], $0x800, $0x38;
	[tilespmem:$0x15100] =	vst v63  }
0x35: {  	_ =	swait.ge [sflag:s31], $0x800  }
0x36: {  	[sflag:s31] =	ssyncset.done $0x0  }
0x37: {  	s28 =	rddreg [dreg:$0xa];
	[sflag:s31] =	ssyncadd.s32 $0xFFFFF800  }
0x38: {  	[spmem:s28] =	stream.linear.scatter [tilespmem:s23], [sflag:$0x1], $0x800, $0x38;
	[tilespmem:$0x15100] =	vst v63  }
0x39: {  	_ =	swait.ge [sflag:s31], $0x800  }
0x3a: {  	[sflag:s31] =	ssyncset.done $0x0  }
0x3b: {  	s29 =	rddreg [dreg:$0xb];
	[sflag:s31] =	ssyncadd.s32 $0xFFFFF800  }
0x3c: {  	[spmem:s29] =	stream.linear.scatter [tilespmem:s23], [sflag:$0x1], $0x800, $0x38;
	[tilespmem:$0x15100] =	vst v63  }
0x3d: {  	_ =	swait.ge [sflag:s31], $0x800  }
0x3e: {  	[sflag:s31] =	ssyncset.done $0x0  }
0x3f: {  	s30 =	rddreg [dreg:$0xc];
	[sflag:s31] =	ssyncadd.s32 $0xFFFFF800  }
0x40: {  	[spmem:s30] =	stream.linear.scatter [tilespmem:s23], [sflag:$0x1], $0x800, $0x38;
	[tilespmem:$0x15100] =	vst v63  }
0x41: {  	_ =	swait.ge [sflag:s31], $0x800  }
0x42: {  	[sflag:s31] =	ssyncset.done $0x0  }
0x43: {  	s24 =	rddreg [dreg:$0xd];
	[sflag:s31] =	ssyncadd.s32 $0xFFFFF800  }
0x44: {  	[spmem:s24] =	stream.linear.scatter [tilespmem:s23], [sflag:$0x1], $0x800, $0x38;
	[tilespmem:$0x15100] =	vst v63  }
0x45: {  	_ =	swait.ge [sflag:s31], $0x800  }
0x46: {  	[sflag:s31] =	ssyncset.done $0x0  }
0x47: {  	s25 =	rddreg [dreg:$0xe];
	[sflag:s31] =	ssyncadd.s32 $0xFFFFF800  }
0x48: {  	[spmem:s25] =	stream.linear.scatter [tilespmem:s23], [sflag:$0x1], $0x800, $0x38;
	[tilespmem:$0x15100] =	vst v63  }
0x49: {  	_ =	swait.ge [sflag:s31], $0x800  }
0x4a: {  	[sflag:s31] =	ssyncset.done $0x0  }
0x4b: {  	s26 =	rddreg [dreg:$0xf];
	[sflag:s31] =	ssyncadd.s32 $0xFFFFF800  }
0x4c: {  	[spmem:s26] =	stream.linear.scatter [tilespmem:s23], [sflag:$0x1], $0x800, $0x38;
	[tilespmem:$0x15100] =	vst v63  }
0x4d: {  	_ =	swait.ge [sflag:s31], $0x800  }
0x4e: {  	[sflag:s31] =	ssyncset.done $0x0  }
0x4f: {  	s28 =	rddreg [dreg:$0x10];
	[sflag:s31] =	ssyncadd.s32 $0xFFFFF800  }
0x50: {  	[spmem:s28] =	stream.linear.scatter [tilespmem:s23], [sflag:$0x1], $0x800, $0x38;
	[tilespmem:$0x15100] =	vst v63  }
0x51: {  	_ =	swait.ge [sflag:s31], $0x800  }
0x52: {  	[sflag:s31] =	ssyncset.done $0x0  }
0x53: {  	s29 =	rddreg [dreg:$0x11];
	[sflag:s31] =	ssyncadd.s32 $0xFFFFF800  }
0x54: {  	[spmem:s29] =	stream.linear.scatter [tilespmem:s23], [sflag:$0x1], $0x800, $0x38;
	[tilespmem:$0x15100] =	vst v63  }
0x55: {  	_ =	swait.ge [sflag:s31], $0x800  }
0x56: {  	[sflag:s31] =	ssyncset.done $0x0  }
0x57: {  	s30 =	rddreg [dreg:$0x12];
	[sflag:s31] =	ssyncadd.s32 $0xFFFFF800  }
0x58: {  	[spmem:s30] =	stream.linear.scatter [tilespmem:s23], [sflag:$0x1], $0x800, $0x38;
	[tilespmem:$0x15100] =	vst v63  }
0x59: {  	_ =	swait.ge [sflag:s31], $0x800  }
0x5a: {  	[sflag:s31] =	ssyncset.done $0x0  }
0x5b: {  	s24 =	rddreg [dreg:$0x14];
	[sflag:s31] =	ssyncadd.s32 $0xFFFFF800  }
0x5c: {  	[spmem:s24] =	stream.linear.scatter [tilespmem:s23], [sflag:$0x1], $0x800, $0x38;
	[tilespmem:$0x15100] =	vst v63  }
0x5d: {  	_ =	swait.ge [sflag:s31], $0x800  }
0x5e: {  	[sflag:s31] =	ssyncset.done $0x0  }
0x5f: {  	s25 =	rddreg [dreg:$0x15];
	[sflag:s31] =	ssyncadd.s32 $0xFFFFF800  }
0x60: {  	[spmem:s25] =	stream.linear.scatter [tilespmem:s23], [sflag:$0x1], $0x800, $0x38;
	[tilespmem:$0x15100] =	vst v63  }
0x61: {  	_ =	swait.ge [sflag:s31], $0x800  }
0x62: {  	[sflag:s31] =	ssyncset.done $0x0  }
0x63: {  	s26 =	rddreg [dreg:$0x16];
	[sflag:s31] =	ssyncadd.s32 $0xFFFFF800  }
0x64: {  	[spmem:s26] =	stream.linear.scatter [tilespmem:s23], [sflag:$0x1], $0x800, $0x38;
	[tilespmem:$0x15100] =	vst v63  }
0x65: {  	_ =	swait.ge [sflag:s31], $0x800  }
0x66: {  	[sflag:s31] =	ssyncset.done $0x0  }
0x67: {  	s11 =	simm.s32 $0x0;
	s28 =	rddreg [dreg:$0x17];
	[sflag:s31] =	ssyncadd.s32 $0xFFFFF800  }
0x68: {  	[spmem:s28] =	stream.linear.scatter [tilespmem:s23], [sflag:$0x1], $0x800, $0x38;
	[tilespmem:$0x15100] =	vst v63  }
0x69: {  	s29 =	sand.u32 $0xFE00, s11;
	_ =	swait.ge [sflag:s31], $0x800  }
0x6a: {  	s30 =	sand.u32 $0x70, s11;
	s25 =	sshrl.u32 s29, $0x2;
	[sflag:s31] =	ssyncset.done $0x0  }
0x6b: {  	s24 =	sor.u32 s30, s25;
	s23 =	simm.s32 $0x40;
	[sflag:s31] =	ssyncadd.s32 $0xFFFFF800  }
.LBB2_4:
0x6c: {  	p0 =	sne.s32 s23, $0x9FC0  }
0x6d: {  	[tilespmem:s24+$0xA100] =	vst v1;
	s11 =	sadd.s32 $0x10, s11;
	s24 =	smov.u32 s23;
	s23 =	sadd.s32 $0x40, s23  }
.Ltmp1:
0x6e: {  	(pc) =	sbr.rel @p0 .LBB2_4-.Ltmp1, $4  }
0x6f: {  	_ = 	snop  }
0x70: {  	s24 =	sand.u32 $0xFE00, s24  }
0x71: {  	s25 =	sand.u32 $0x70, s11;
	s24 =	sshrl.u32 s24, $0x2  }
0x72: {  	s24 =	sor.u32 s25, s24  }
0x73: {  	[tilespmem:s24+$0xA100] =	vst v1  }
0x74: {  	s25 =	simm.s32 $0x0;
	s26 =	simm.s32 $0x0;
	[bflag:$0x0] =	sbarrier.arrive $0xFFFF  }
.LBB2_6:
0x75: {  	s11 =	smul.u32 $0x50, s26;
	_ =	sdelay $0x1  }
0x76: {  	s11 =	sadd.s32 s9, s11  }
0x77: {  	s11 =	sshrl.u32 s11, $0x3  }
0x78: {  	s23 =	sadd.s32 s7, s11  }
0x79: {  	[tilespmem:s25], [sflag:$0x1] =	stream.linear.gather [hbm4b:s23+s25], $0x50, $0x38;
	[tilespmem:$0x15100] =	vst v63  }
0x7a: {  	_ =	swait.ge [sflag:s31], $0x50  }
0x7b: {  	[sflag:s31] =	ssyncset.done $0x0  }
0x7c: {  	s11 =	sadd.s32 s8, s11;
	[sflag:s31] =	ssyncadd.s32 $0xFFFFFFB0  }
0x7d: {  	[tilespmem:s0], [sflag:$0x1] =	stream.linear.gather [hbm4b:s11+s25], $0x50, $0x38;
	[tilespmem:$0x15100] =	vst v63  }
0x7e: {  	_ =	swait.ge [sflag:s31], $0x50  }
0x7f: {  	[sflag:s31] =	ssyncset.done $0x0  }
0x80: {  	[sflag:s31] =	ssyncadd.s32 $0xFFFFFFB0  }
0x81: {  	v5 =	vld [tilespmem:$0x0];
	_ =	sdelay $0x4  }
0x82: {  	v6 =	vshll.u32 v5, $0x1  }
0x83: {  	v5 =	vand.u32 $0x7, v5;
	v6 =	vand.u32 $0xFFFFFFF0, v6  }
0x84: {  	v5 =	vor.u32 v5, v6  }
0x85: {  	v6 =	vperm.xlane v5, v2;
	_ =	sdelay $0x1  }
0x86: {  	v5 =	vperm.xlane v5, v4;
	v6 =	vadd.s32 v3, v6;
	_ =	sdelay $0x1  }
0x87: {  	v5 =	vadd.s32 v3, v5;
	_ =	sdelay $0x2  }
0x88: {  	[tilespmem:s5], [sflag:$0x1] =	stream.indirect_vreg.gather [hbm4b:s6+s25], $0x80, v6, vm0, $0xb8;
	[tilespmem:$0x15100] =	vst v63  }
0x89: {  	_ = 	snop  }
0x8a: {  	[tilespmem:s4], [sflag:$0x1] =	stream.indirect_vreg.gather [hbm4b:s6+s25], $0x80, v5, vm0, $0xb8;
	[tilespmem:$0x15100] =	vst v63  }
0x8b: {  	v5 =	vld [tilespmem:$0x10];
	_ =	sdelay $0x4  }
0x8c: {  	v6 =	vshll.u32 v5, $0x1  }
0x8d: {  	v5 =	vand.u32 $0x7, v5;
	v6 =	vand.u32 $0xFFFFFFF0, v6  }
0x8e: {  	v5 =	vor.u32 v5, v6  }
0x8f: {  	v6 =	vperm.xlane v5, v2;
	_ =	sdelay $0x1  }
0x90: {  	v5 =	vperm.xlane v5, v4;
	v6 =	vadd.s32 v3, v6;
	_ =	sdelay $0x1  }
0x91: {  	v5 =	vadd.s32 v3, v5;
	_ =	sdelay $0x2  }
0x92: {  	[tilespmem:s10], [sflag:$0x1] =	stream.indirect_vreg.gather [hbm4b:s6+s25], $0x80, v6, vm0, $0xb8;
	[tilespmem:$0x15100] =	vst v63  }
0x93: {  	_ = 	snop  }
0x94: {  	[tilespmem:s12], [sflag:$0x1] =	stream.indirect_vreg.gather [hbm4b:s6+s25], $0x80, v5, vm0, $0xb8;
	[tilespmem:$0x15100] =	vst v63  }
0x95: {  	v5 =	vld [tilespmem:$0x20];
	_ =	sdelay $0x4  }
0x96: {  	v6 =	vshll.u32 v5, $0x1  }
0x97: {  	v5 =	vand.u32 $0x7, v5;
	v6 =	vand.u32 $0xFFFFFFF0, v6  }
0x98: {  	v5 =	vor.u32 v5, v6  }
0x99: {  	v6 =	vperm.xlane v5, v2;
	_ =	sdelay $0x1  }
0x9a: {  	v5 =	vperm.xlane v5, v4;
	v6 =	vadd.s32 v3, v6;
	_ =	sdelay $0x1  }
0x9b: {  	v5 =	vadd.s32 v3, v5;
	_ =	sdelay $0x2  }
0x9c: {  	[tilespmem:s13], [sflag:$0x1] =	stream.indirect_vreg.gather [hbm4b:s6+s25], $0x80, v6, vm0, $0xb8;
	[tilespmem:$0x15100] =	vst v63  }
0x9d: {  	_ = 	snop  }
0x9e: {  	[tilespmem:s14], [sflag:$0x1] =	stream.indirect_vreg.gather [hbm4b:s6+s25], $0x80, v5, vm0, $0xb8;
	[tilespmem:$0x15100] =	vst v63  }
0x9f: {  	v5 =	vld [tilespmem:$0x30];
	_ =	sdelay $0x4  }
0xa0: {  	v6 =	vshll.u32 v5, $0x1  }
0xa1: {  	v5 =	vand.u32 $0x7, v5;
	v6 =	vand.u32 $0xFFFFFFF0, v6  }
0xa2: {  	v5 =	vor.u32 v5, v6  }
0xa3: {  	v6 =	vperm.xlane v5, v2;
	_ =	sdelay $0x1  }
0xa4: {  	v5 =	vperm.xlane v5, v4;
	v6 =	vadd.s32 v3, v6;
	_ =	sdelay $0x1  }
0xa5: {  	v5 =	vadd.s32 v3, v5;
	_ =	sdelay $0x2  }
0xa6: {  	[tilespmem:s15], [sflag:$0x1] =	stream.indirect_vreg.gather [hbm4b:s6+s25], $0x80, v6, vm0, $0xb8;
	[tilespmem:$0x15100] =	vst v63  }
0xa7: {  	_ = 	snop  }
0xa8: {  	[tilespmem:s16], [sflag:$0x1] =	stream.indirect_vreg.gather [hbm4b:s6+s25], $0x80, v5, vm0, $0xb8;
	[tilespmem:$0x15100] =	vst v63  }
0xa9: {  	v5 =	vld [tilespmem:$0x40];
	_ =	sdelay $0x4  }
0xaa: {  	v6 =	vshll.u32 v5, $0x1  }
0xab: {  	v5 =	vand.u32 $0x7, v5;
	v6 =	vand.u32 $0xFFFFFFF0, v6  }
0xac: {  	v5 =	vor.u32 v5, v6  }
0xad: {  	v6 =	vperm.xlane v5, v2;
	_ =	sdelay $0x1  }
0xae: {  	v5 =	vperm.xlane v5, v4;
	v6 =	vadd.s32 v3, v6;
	_ =	sdelay $0x1  }
0xaf: {  	v5 =	vadd.s32 v3, v5;
	_ =	sdelay $0x2  }
0xb0: {  	[tilespmem:s17], [sflag:$0x1] =	stream.indirect_vreg.gather [hbm4b:s6+s25], $0x80, v6, vm0, $0xb8;
	[tilespmem:$0x15100] =	vst v63  }
0xb1: {  	_ = 	snop  }
0xb2: {  	[tilespmem:s18], [sflag:$0x1] =	stream.indirect_vreg.gather [hbm4b:s6+s25], $0x80, v5, vm0, $0xb8;
	[tilespmem:$0x15100] =	vst v63  }
0xb3: {  	_ =	swait.ge [sflag:s31], $0x5000  }
0xb4: {  	[sflag:s31] =	ssyncset.done $0x0  }
0xb5: {  	[sflag:s31] =	ssyncadd.s32 $0xFFFFB000  }
0xb6: {  	[tilespmem:s20], [sflag:$0x1] =	stream.indirect.gather [hbm4b:s1+s19], $0x80, s0, s19, $0xb8;
	[tilespmem:$0x15100] =	vst v63  }
0xb7: {  	_ =	swait.ge [sflag:s31], $0x2800  }
0xb8: {  	s28 =	simm.s32 $0x7940;
	s29 =	simm.s32 $0x5140;
	[sflag:s31] =	ssyncset.done $0x0  }
0xb9: {  	s24 =	simm.s32 $0x0;
	s11 =	simm.s32 $0x0;
	[sflag:s31] =	ssyncadd.s32 $0xFFFFD800  }
.LBB2_7:
0xba: {  	s23 =	sand.u32 $0x7800, s24;
	s30 =	sand.u32 $0x380, s11  }
0xbb: {  	v6 =	vld [tilespmem:s29+$0xFFFFFFC0];
	s23 =	sor.u32 s30, s23  }
0xbc: {  	v5 =	vld [tilespmem:s23+$0x100];
	_ =	sdelay $0x4  }
0xbd: {  	v5 =	vadd.f32 v6, v5;
	_ =	sdelay $0x1  }
0xbe: {  	v6 =	vmul.f32 v5, v5;
	_ =	sdelay $0x1  }
0xbf: {  	v6 =	vmul.f32 $7.135481390e-02, v6;
	_ =	sdelay $0x1  }
0xc0: {  	v6 =	vsub.f32 $-1.595769170e+00, v6;
	_ =	sdelay $0x1  }
0xc1: {  	v6 =	vmul.f32 v6, v5;
	_ =	sdelay $0x1  }
0xc2: {  	v6 =	vmul.f32 $1.442695020e+00, v6;
	_ =	sdelay $0x1  }
0xc3: {  	(erf) = vpow2.f32 v6;
	_ =	sdelay $0x8  }
0xc4: {  	v6 =	vpop (erf)  }
0xc5: {  	v6 =	vadd.f32 $1.000000000e+00, v6;
	_ =	sdelay $0x1  }
0xc6: {  	(erf) = vrcp.f32 v6;
	_ =	sdelay $0x2  }
0xc7: {  	v6 =	vld [tilespmem:s23+$0x500];
	_ =	sdelay $0x4  }
0xc8: {  	v5 =	vmul.f32 v5, v6  }
0xc9: {  	v6 =	vpop (erf)  }
0xca: {  	v5 =	vmul.f32 v6, v5;
	_ =	sdelay $0x1  }
0xcb: {  	[tilespmem:s28+$0xFFFFFFC0] =	vst v5  }
0xcc: {  	v5 =	vld [tilespmem:s23+$0x110]  }
0xcd: {  	v6 =	vld [tilespmem:s29+$0xFFFFFFD0];
	_ =	sdelay $0x4  }
0xce: {  	v5 =	vadd.f32 v6, v5;
	_ =	sdelay $0x1  }
0xcf: {  	v6 =	vmul.f32 v5, v5;
	_ =	sdelay $0x1  }
0xd0: {  	v6 =	vmul.f32 $7.135481390e-02, v6;
	_ =	sdelay $0x1  }
0xd1: {  	v6 =	vsub.f32 $-1.595769170e+00, v6;
	_ =	sdelay $0x1  }
0xd2: {  	v6 =	vmul.f32 v6, v5;
	_ =	sdelay $0x1  }
0xd3: {  	v6 =	vmul.f32 $1.442695020e+00, v6;
	_ =	sdelay $0x1  }
0xd4: {  	(erf) = vpow2.f32 v6;
	_ =	sdelay $0x8  }
0xd5: {  	v6 =	vpop (erf)  }
0xd6: {  	v6 =	vadd.f32 $1.000000000e+00, v6;
	_ =	sdelay $0x1  }
0xd7: {  	(erf) = vrcp.f32 v6;
	_ =	sdelay $0x2  }
0xd8: {  	v6 =	vld [tilespmem:s23+$0x510];
	_ =	sdelay $0x4  }
0xd9: {  	v5 =	vmul.f32 v5, v6  }
0xda: {  	v6 =	vpop (erf)  }
0xdb: {  	v5 =	vmul.f32 v6, v5;
	_ =	sdelay $0x1  }
0xdc: {  	[tilespmem:s28+$0xFFFFFFD0] =	vst v5  }
0xdd: {  	v5 =	vld [tilespmem:s23+$0x120]  }
0xde: {  	v6 =	vld [tilespmem:s29+$0xFFFFFFE0];
	_ =	sdelay $0x4  }
0xdf: {  	v5 =	vadd.f32 v6, v5;
	_ =	sdelay $0x1  }
0xe0: {  	v6 =	vmul.f32 v5, v5;
	_ =	sdelay $0x1  }
0xe1: {  	v6 =	vmul.f32 $7.135481390e-02, v6;
	_ =	sdelay $0x1  }
0xe2: {  	v6 =	vsub.f32 $-1.595769170e+00, v6;
	_ =	sdelay $0x1  }
0xe3: {  	v6 =	vmul.f32 v6, v5;
	_ =	sdelay $0x1  }
0xe4: {  	v6 =	vmul.f32 $1.442695020e+00, v6;
	_ =	sdelay $0x1  }
0xe5: {  	(erf) = vpow2.f32 v6;
	_ =	sdelay $0x8  }
0xe6: {  	v6 =	vpop (erf)  }
0xe7: {  	v6 =	vadd.f32 $1.000000000e+00, v6;
	_ =	sdelay $0x1  }
0xe8: {  	(erf) = vrcp.f32 v6;
	_ =	sdelay $0x2  }
0xe9: {  	v6 =	vld [tilespmem:s23+$0x520];
	_ =	sdelay $0x4  }
0xea: {  	v5 =	vmul.f32 v5, v6  }
0xeb: {  	v6 =	vpop (erf)  }
0xec: {  	v5 =	vmul.f32 v6, v5;
	_ =	sdelay $0x1  }
0xed: {  	[tilespmem:s28+$0xFFFFFFE0] =	vst v5  }
0xee: {  	v5 =	vld [tilespmem:s23+$0x130]  }
0xef: {  	v6 =	vld [tilespmem:s29+$0xFFFFFFF0];
	_ =	sdelay $0x4  }
0xf0: {  	v5 =	vadd.f32 v6, v5;
	_ =	sdelay $0x1  }
0xf1: {  	v6 =	vmul.f32 v5, v5;
	_ =	sdelay $0x1  }
0xf2: {  	v6 =	vmul.f32 $7.135481390e-02, v6;
	_ =	sdelay $0x1  }
0xf3: {  	v6 =	vsub.f32 $-1.595769170e+00, v6;
	_ =	sdelay $0x1  }
0xf4: {  	v6 =	vmul.f32 v6, v5;
	_ =	sdelay $0x1  }
0xf5: {  	v6 =	vmul.f32 $1.442695020e+00, v6;
	_ =	sdelay $0x1  }
0xf6: {  	(erf) = vpow2.f32 v6;
	_ =	sdelay $0x8  }
0xf7: {  	v6 =	vpop (erf)  }
0xf8: {  	v6 =	vadd.f32 $1.000000000e+00, v6;
	_ =	sdelay $0x1  }
0xf9: {  	(erf) = vrcp.f32 v6;
	_ =	sdelay $0x2  }
0xfa: {  	v6 =	vld [tilespmem:s23+$0x530];
	_ =	sdelay $0x4  }
0xfb: {  	v5 =	vmul.f32 v5, v6  }
0xfc: {  	v6 =	vpop (erf)  }
0xfd: {  	v5 =	vmul.f32 v6, v5;
	_ =	sdelay $0x1  }
0xfe: {  	[tilespmem:s28+$0xFFFFFFF0] =	vst v5  }
0xff: {  	v5 =	vld [tilespmem:s23+$0x140]  }
0x100: {  	v6 =	vld [tilespmem:s29+$0x0];
	_ =	sdelay $0x4  }
0x101: {  	v5 =	vadd.f32 v6, v5;
	_ =	sdelay $0x1  }
0x102: {  	v6 =	vmul.f32 v5, v5;
	_ =	sdelay $0x1  }
0x103: {  	v6 =	vmul.f32 $7.135481390e-02, v6;
	_ =	sdelay $0x1  }
0x104: {  	v6 =	vsub.f32 $-1.595769170e+00, v6;
	_ =	sdelay $0x1  }
0x105: {  	v6 =	vmul.f32 v6, v5;
	_ =	sdelay $0x1  }
0x106: {  	v6 =	vmul.f32 $1.442695020e+00, v6;
	_ =	sdelay $0x1  }
0x107: {  	(erf) = vpow2.f32 v6;
	_ =	sdelay $0x8  }
0x108: {  	v6 =	vpop (erf)  }
0x109: {  	v6 =	vadd.f32 $1.000000000e+00, v6;
	_ =	sdelay $0x1  }
0x10a: {  	(erf) = vrcp.f32 v6;
	_ =	sdelay $0x2  }
0x10b: {  	v6 =	vld [tilespmem:s23+$0x540];
	_ =	sdelay $0x4  }
0x10c: {  	v5 =	vmul.f32 v5, v6  }
0x10d: {  	v6 =	vpop (erf)  }
0x10e: {  	v5 =	vmul.f32 v6, v5;
	_ =	sdelay $0x1  }
0x10f: {  	[tilespmem:s28+$0x0] =	vst v5  }
0x110: {  	v5 =	vld [tilespmem:s23+$0x150]  }
0x111: {  	v6 =	vld [tilespmem:s29+$0x10];
	_ =	sdelay $0x4  }
0x112: {  	v5 =	vadd.f32 v6, v5;
	_ =	sdelay $0x1  }
0x113: {  	v6 =	vmul.f32 v5, v5;
	_ =	sdelay $0x1  }
0x114: {  	v6 =	vmul.f32 $7.135481390e-02, v6;
	_ =	sdelay $0x1  }
0x115: {  	v6 =	vsub.f32 $-1.595769170e+00, v6;
	_ =	sdelay $0x1  }
0x116: {  	v6 =	vmul.f32 v6, v5;
	_ =	sdelay $0x1  }
0x117: {  	v6 =	vmul.f32 $1.442695020e+00, v6;
	_ =	sdelay $0x1  }
0x118: {  	(erf) = vpow2.f32 v6;
	_ =	sdelay $0x8  }
0x119: {  	v6 =	vpop (erf)  }
0x11a: {  	v6 =	vadd.f32 $1.000000000e+00, v6;
	_ =	sdelay $0x1  }
0x11b: {  	(erf) = vrcp.f32 v6;
	_ =	sdelay $0x2  }
0x11c: {  	v6 =	vld [tilespmem:s23+$0x550];
	_ =	sdelay $0x4  }
0x11d: {  	v5 =	vmul.f32 v5, v6  }
0x11e: {  	v6 =	vpop (erf)  }
0x11f: {  	v5 =	vmul.f32 v6, v5;
	_ =	sdelay $0x1  }
0x120: {  	[tilespmem:s28+$0x10] =	vst v5  }
0x121: {  	v5 =	vld [tilespmem:s23+$0x160]  }
0x122: {  	v6 =	vld [tilespmem:s29+$0x20];
	_ =	sdelay $0x4  }
0x123: {  	v5 =	vadd.f32 v6, v5;
	_ =	sdelay $0x1  }
0x124: {  	v6 =	vmul.f32 v5, v5;
	_ =	sdelay $0x1  }
0x125: {  	v6 =	vmul.f32 $7.135481390e-02, v6;
	_ =	sdelay $0x1  }
0x126: {  	v6 =	vsub.f32 $-1.595769170e+00, v6;
	_ =	sdelay $0x1  }
0x127: {  	v6 =	vmul.f32 v6, v5;
	_ =	sdelay $0x1  }
0x128: {  	v6 =	vmul.f32 $1.442695020e+00, v6;
	_ =	sdelay $0x1  }
0x129: {  	(erf) = vpow2.f32 v6;
	_ =	sdelay $0x8  }
0x12a: {  	v6 =	vpop (erf)  }
0x12b: {  	v6 =	vadd.f32 $1.000000000e+00, v6;
	_ =	sdelay $0x1  }
0x12c: {  	(erf) = vrcp.f32 v6;
	_ =	sdelay $0x2  }
0x12d: {  	v6 =	vld [tilespmem:s23+$0x560];
	_ =	sdelay $0x4  }
0x12e: {  	v5 =	vmul.f32 v5, v6  }
0x12f: {  	v6 =	vpop (erf)  }
0x130: {  	v5 =	vmul.f32 v6, v5;
	_ =	sdelay $0x1  }
0x131: {  	[tilespmem:s28+$0x20] =	vst v5  }
0x132: {  	v5 =	vld [tilespmem:s23+$0x170]  }
0x133: {  	v6 =	vld [tilespmem:s29+$0x30];
	_ =	sdelay $0x4  }
0x134: {  	v5 =	vadd.f32 v6, v5;
	_ =	sdelay $0x1  }
0x135: {  	v6 =	vmul.f32 v5, v5;
	_ =	sdelay $0x1  }
0x136: {  	v6 =	vmul.f32 $7.135481390e-02, v6;
	_ =	sdelay $0x1  }
0x137: {  	v6 =	vsub.f32 $-1.595769170e+00, v6;
	_ =	sdelay $0x1  }
0x138: {  	v6 =	vmul.f32 v6, v5;
	_ =	sdelay $0x1  }
0x139: {  	v6 =	vmul.f32 $1.442695020e+00, v6;
	_ =	sdelay $0x1  }
0x13a: {  	(erf) = vpow2.f32 v6;
	_ =	sdelay $0x8  }
0x13b: {  	v6 =	vpop (erf)  }
0x13c: {  	v6 =	vadd.f32 $1.000000000e+00, v6;
	_ =	sdelay $0x1  }
0x13d: {  	(erf) = vrcp.f32 v6;
	_ =	sdelay $0x2  }
0x13e: {  	v6 =	vld [tilespmem:s23+$0x570];
	_ =	sdelay $0x3  }
0x13f: {  	p0 =	sne.s32 s24, $0x4F00  }
.Ltmp2:
0x140: {  	v5 =	vmul.f32 v5, v6;
	(pc) =	sbr.rel @p0 .LBB2_7-.Ltmp2, $4  }
0x141: {  	v6 =	vpop (erf)  }
0x142: {  	v5 =	vmul.f32 v6, v5  }
0x143: {  	s11 =	sadd.s32 $0x80, s11  }
0x144: {  	s24 =	sadd.s32 $0x100, s24;
	s29 =	sadd.s32 $0x80, s29;
	[tilespmem:s28+$0x30] =	vst v5;
	s28 =	sadd.s32 $0x80, s28  }
0x145: {  	[spmem:s2] =	stream.indirect.scatter.add.f32 [tilespmem:s21], [sflag:$0x1], $0x80, s0, s19, $0xb8;
	[tilespmem:$0x15100] =	vst v63  }
0x146: {  	s26 =	sadd.s32 $0x1, s26;
	_ =	swait.ge [sflag:s31], $0x2800  }
0x147: {  	p0 =	sne.s32 s26, $0x7D;
	[sflag:s31] =	ssyncset.done $0x0  }
.Ltmp3:
0x148: {  	[sflag:s31] =	ssyncadd.s32 $0xFFFFD800;
	(pc) =	sbr.rel @p0 .LBB2_6-.Ltmp3, $4  }
0x149: {  	[spmem:s3] =	stream.indirect.scatter.add.f32 [tilespmem:s22], [sflag:$0x1], $0x80, s0, s19, $0xb8;
	[tilespmem:$0x15100] =	vst v63  }
0x14a: {  	_ =	swait.ge [sflag:s31], $0x2800  }
0x14b: {  	[sflag:s31] =	ssyncset.done $0x0  }
0x14c: {  	[sflag:s31] =	ssyncadd.s32 $0xFFFFD800  }
0x14d: {  	s11 =	stileid.u32;
	[bflag:$0x0] =	sbarrier.arrive $0xFFFF  }
0x14e: {  	s11 =	sshll.u32 s11, $0x6;
	s26 =	rddreg [dreg:$0x6]  }
0x14f: {  	s24 =	rddreg [dreg:$0x5];
	s11 =	sor.u32 $0x1C01, s11;
	s23 =	sshrl.u32 s26, $0x3  }
0x150: {  	[hbm:s24], [sflag:s11] =	dma.local [spmem:s23], $0x800  }
0x151: {  	_ =	swait.ge [sflag:s31], $0x800  }
0x152: {  	[sflag:s31] =	ssyncset.done $0x0;
	s28 =	rddreg [dreg:$0x13]  }
0x153: {  	s25 =	rddreg [dreg:$0x7];
	[sflag:s31] =	ssyncadd.s32 $0xFFFFF800;
	s24 =	sshrl.u32 s28, $0x3  }
0x154: {  	[hbm:s25], [sflag:s11] =	dma.local [spmem:s24], $0x800  }
0x155: {  	_ =	swait.ge [sflag:s31], $0x800  }
0x156: {  	s29 =	rddreg [dreg:$0x18]  }
0x157: {  	s30 =	rddreg [dreg:$0x8];
	s23 =	sadd.s32 $0x1, s29  }
0x158: {  	p0 =	sne.s32 s23, s30  }
.Ltmp4:
0x159: {  	_ = 	snop;
	(pc) =	sbr.rel @p0 .LBB2_1-.Ltmp4, $3  }
0x15a: {  	_ =	sdelay $0x1  }
0x15b: {  	[sflag:s31] =	ssyncset.done $0x0  }
0x15c: {  	[sflag:s31] =	ssyncadd.s32 $0xFFFFF800  }
0x15d: {  	_ =	sfence.sel $0x180000  }
0x15e: {  	[bflag:$0x0] =	sbarrier.arrive $0xFFFF  }
0x15f: {  	_ =	strace $0x90000047  }
0x160: {  	s0 =	stileid.u32;
	[bflag:$0x2] =	sbarrier.arrive $0xFFFF  }
0x161: {  	p0 =	sne.s32 s0, $0x0;
	s0 =	rddreg [dreg:$0x4]  }
0x162: {  	s0 =	sadd.s32 @!p0 $0x100000, s0  }
0x163: {  	[sflag:s0] =	ssyncadd.tile.s32 @!p0 $0x1;
	_ =	shalt  }
.Lfunc_end2:
_tile_overlayer_lowered:
.L_overlay_start_2:
0x164: {  	(tag) =	ssettag $0x2  }
0x165: {  	s0 =	rddreg [dreg:$0x0];
	s2 =	stileid.u32  }
0x166: {  	s1 =	rddreg [dreg:$0x1];
	p0 =	sne.s32 s2, $0x0  }
0x167: {  	s3 =	rddreg [dreg:$0x2];
	[bflag:$0x3] =	sbarrier.arrive $0xFFFF;
	s2 =	simm.s32 @!p0 $0x1C01  }
0x168: {  	[timem:s3], [sflag:s2] =	dma.local @!p0 [hbm:s0], s1  }
0x169: {  	s0 =	simm.s32 @!p0 $0x1  }
0x16a: {  	_ =	swait.ge @!p0 [sflag:s0], s1  }
0x16b: {  	s1 =	ssub.s32 @!p0 $0x0, s1;
	[sflag:s0] =	ssyncset.done @!p0 $0x0  }
0x16c: {  	[sflag:s0] =	ssyncadd.s32 @!p0 s1  }
0x16d: {  	[bflag:$0x3] =	sbarrier.arrive $0xFFFF  }
0x16e: {  	_ =	shalt  }

</sc_bundles>
